<compile_context>
chip_gen: v7x
topology: tpu7x:2x2x1
jax: 0.10.2.dev20260603
libtpu: 0.0.44.dev20260713+nightly
codegen_flags: <defaults>
</compile_context>

<pallas_src>
import functools

import jax
import jax.numpy as jnp
from jax import lax
from jax.experimental import pallas as pl
from jax.experimental.pallas import tpu as pltpu, tpu_sc as plsc

_N = 10000
_NP = 10016
_RSTRIPE = _NP // 16
_E = 320000
_NW = 32
_G = 64

_LAYOUT = {144: (64, 158, 158), 128: (80, 182, 70)}


def _edge_arrays(adjacency, width):
    lb, j0, j1 = _LAYOUT[width]
    rows = 16 * (j0 + j1) + abs(j0 - j1)
    pad = jnp.full((rows * lb - _E,), _N, jnp.int32)
    srcr = jnp.concatenate([adjacency[0], pad]).reshape(rows, lb)
    dstr = jnp.concatenate([adjacency[1], pad]).reshape(rows, lb)
    return srcr, dstr


@functools.lru_cache(maxsize=None)
def _make_spmm(width):
    lb, j0, j1 = _LAYOUT[width]
    jmax = max(j0, j1)
    mesh = plsc.VectorSubcoreMesh(core_axis_name="c", subcore_axis_name="s",
                                  num_cores=2, num_subcores=16)

    @functools.partial(
        pl.kernel,
        out_type=jax.ShapeDtypeStruct((2, _NP, width), jnp.float32),
        mesh=mesh,
        scratch_types=[
            pltpu.VMEM_SHARED((_NP, width), jnp.float32),
            pltpu.VMEM((jmax, lb), jnp.int32),
            pltpu.VMEM((jmax, lb), jnp.int32),
            pltpu.VMEM((lb, width), jnp.float32),
            pltpu.VMEM((lb, width), jnp.float32),
            pltpu.SemaphoreType.DMA,
            pltpu.SemaphoreType.DMA,
        ],
        compiler_params=pltpu.CompilerParams(use_tc_tiling_on_sc=False),
    )
    def spmm(table, srcr, dstr, zeros, out, agg_sh, idxs, idxd,
             rows0, rows1, sem0, sem1):
        c = lax.axis_index("c")
        s = lax.axis_index("s")
        pltpu.sync_copy(zeros.at[pl.ds(s * _RSTRIPE, _RSTRIPE)],
                        agg_sh.at[pl.ds(s * _RSTRIPE, _RSTRIPE)])
        jc = jnp.where(c == 0, j0, j1)
        base = jnp.where(c == 0, s * j0, 16 * j0 + s * j1)
        pltpu.sync_copy(srcr.at[pl.ds(base, jmax)], idxs)
        pltpu.sync_copy(dstr.at[pl.ds(base, jmax)], idxd)
        plsc.subcore_barrier()

        pltpu.async_copy(table.at[idxs.at[0]], rows0, sem0)

        def step(p, carry):
            j = p * 2
            pltpu.async_copy(table.at[idxs.at[j + 1]], rows1, sem1)
            pltpu.make_async_copy(table.at[idxs.at[j]], rows0, sem0).wait()
            pltpu.sync_copy(rows0, agg_sh.at[idxd.at[j]], add=True)

            @pl.when(p < jc // 2 - 1)
            def _():
                pltpu.async_copy(table.at[idxs.at[j + 2]], rows0, sem0)

            pltpu.make_async_copy(table.at[idxs.at[j + 1]], rows1, sem1).wait()
            pltpu.sync_copy(rows1, agg_sh.at[idxd.at[j + 1]], add=True)
            return carry

        lax.fori_loop(0, jc // 2, step, 0)
        plsc.subcore_barrier()
        pltpu.sync_copy(agg_sh.at[pl.ds(s * _RSTRIPE, _RSTRIPE)],
                        out.at[c].at[pl.ds(s * _RSTRIPE, _RSTRIPE)])

    return spmm


def _neigh_h(agg2, dsl, x, ws, wn, b):
    p = agg2[0] + agg2[1]
    deg = jnp.sum(dsl[0] + dsl[1], axis=1, keepdims=True)
    neigh = p * (1.0 / jnp.maximum(deg, 1.0))
    h = x @ ws + neigh @ wn + b
    return jnp.maximum(h, 0.0)


def _tc_mid_body(agg2_ref, dsl_ref, x_ref, ws_ref, wn_ref, b_ref,
                 gamma_ref, beta_ref, out_ref):
    h = _neigh_h(agg2_ref[...], dsl_ref[...], x_ref[...],
                 ws_ref[...], wn_ref[...], b_ref[...])
    rid = lax.broadcasted_iota(jnp.int32, (_NP, 1), 0)
    valid = rid < _N
    h = jnp.where(valid, h, 0.0)
    mu = jnp.sum(h, axis=0, keepdims=True) * (1.0 / _N)
    cen = jnp.where(valid, h - mu, 0.0)
    var = jnp.sum(cen * cen, axis=0, keepdims=True) * (1.0 / _N)
    hn = cen * lax.rsqrt(var + 1e-5) * gamma_ref[...] + beta_ref[...]
    out_ref[...] = jnp.where(valid, hn, 0.0)


_tc_mid = pl.pallas_call(
    _tc_mid_body,
    out_shape=jax.ShapeDtypeStruct((_NP, 128), jnp.float32),
)


def _tc_head_body(agg2_ref, dsl_ref, x_ref, ws_ref, wn_ref, b_ref, gi_ref,
                  fc1w_ref, fc1b_ref, fc2w_ref, fc2b_ref, fc3w_ref, fc3b_ref,
                  out_ref):
    h = _neigh_h(agg2_ref[...], dsl_ref[...], x_ref[...],
                 ws_ref[...], wn_ref[...], b_ref[...])
    oh = (lax.broadcasted_iota(jnp.int32, (_G, _NP), 0)
          == gi_ref[...]).astype(jnp.float32)
    pooled = jnp.dot(oh, h, preferred_element_type=jnp.float32)
    h1 = jnp.maximum(jnp.dot(pooled, fc1w_ref[...],
                             preferred_element_type=jnp.float32)
                     + fc1b_ref[...], 0.0)
    h2 = jnp.maximum(jnp.dot(h1, fc2w_ref[...],
                             preferred_element_type=jnp.float32)
                     + fc2b_ref[...], 0.0)
    out_ref[...] = jnp.dot(h2, fc3w_ref[...],
                           preferred_element_type=jnp.float32) + fc3b_ref[...]


_tc_head = pl.pallas_call(
    _tc_head_body,
    out_shape=jax.ShapeDtypeStruct((_G, 10), jnp.float32),
)


def kernel(adjacency, input_feature, graph_indicator, labels, gamma2, beta2,
           gamma3, beta3, ws1, wn1, b1, ws2, wn2, b2, ws3, wn3, b3,
           fc1_w, fc1_b, fc2_w, fc2_b, fc3_w, fc3_b):
    srcr1, dstr1 = _edge_arrays(adjacency, 144)
    srcr2, dstr2 = _edge_arrays(adjacency, 128)
    x_pad = jnp.pad(input_feature, ((0, _NP - _N), (0, 0)))
    table1 = jnp.pad(
        jnp.concatenate([input_feature, jnp.ones((_N, 1), jnp.float32)],
                        axis=1),
        ((0, _NP - _N), (0, 15)))
    zeros144 = jnp.zeros((_NP, 144), jnp.float32)
    zeros128 = jnp.zeros((_NP, 128), jnp.float32)
    gi_pad = jnp.pad(graph_indicator, (0, _NP - _N),
                     constant_values=_G).reshape(1, _NP)
    b1r, b2r, b3r = (b.reshape(1, -1) for b in (b1, b2, b3))
    g2r, be2r = gamma2.reshape(1, -1), beta2.reshape(1, -1)
    g3r, be3r = gamma3.reshape(1, -1), beta3.reshape(1, -1)
    fc1br, fc2br, fc3br = (b.reshape(1, -1) for b in (fc1_b, fc2_b, fc3_b))

    p1 = _make_spmm(144)(table1, srcr1, dstr1, zeros144)
    agg1 = p1[:, :, :128]
    dsl = p1[:, :, 128:]
    h1 = _tc_mid(agg1, dsl, x_pad, ws1, wn1, b1r, g2r, be2r)
    p2 = _make_spmm(128)(h1, srcr2, dstr2, zeros128)
    h2 = _tc_mid(p2, dsl, h1, ws2, wn2, b2r, g3r, be3r)
    p3 = _make_spmm(128)(h2, srcr2, dstr2, zeros128)
    logits = _tc_head(p3, dsl, h2, ws3, wn3, b3r, gi_pad,
                      fc1_w, fc1br, fc2_w, fc2br, fc3_w, fc3br)
    return logits

# --- scband reference (transcript-rebuilt; emitter-appended) ---
"""Pipeline reference for scband-graph-classifier-34617436406345 (READ-ONLY COPY).

The authoritative reference and input builder live on the scoring server;
editing this copy changes nothing except your own understanding.
"""

import jax, jax.numpy as jnp
import numpy as np

N = 10000
E = 320000
D = 128
H = 128
G = 64
C = 10

def _bn(x, gamma, beta, eps=1e-5):
    mu = jnp.mean(x, axis=0)
    var = jnp.var(x, axis=0)
    return (x - mu) / jnp.sqrt(var + eps) * gamma + beta

def _sage(x, src, dst, w_self, w_neigh, b):
    msg = jnp.take(x, src, axis=0)
    agg = jax.ops.segment_sum(msg, dst, num_segments=N)
    deg = jax.ops.segment_sum(jnp.ones((src.shape[0],), jnp.float32), dst, num_segments=N)
    neigh = agg / jnp.clip(deg, 1.0)[:, None]
    return jax.nn.relu(x @ w_self + neigh @ w_neigh + b)

def setup_inputs(seed: int = 0):
    key = jax.random.key(seed)
    ks = jax.random.split(key, 24)
    inp = {}
    inp['adjacency'] = jax.random.randint(ks[0], (2, E), 0, N, dtype=jnp.int32)
    inp['input_feature'] = jax.random.normal(ks[1], (N, D), jnp.float32)
    inp['graph_indicator'] = jnp.sort(jax.random.randint(ks[2], (N,), 0, G, dtype=jnp.int32))
    inp['labels'] = jax.random.randint(ks[3], (G,), 0, C, dtype=jnp.int32)
    def lin(k, i, o):
        return jax.random.normal(k, (i, o), jnp.float32) * (1.0 / np.sqrt(i))
    inp['gamma2'] = jnp.ones((H,), jnp.float32); inp['beta2'] = jnp.zeros((H,), jnp.float32)
    inp['gamma3'] = jnp.ones((H,), jnp.float32); inp['beta3'] = jnp.zeros((H,), jnp.float32)
    inp['ws1'] = lin(ks[4], D, H); inp['wn1'] = lin(ks[5], D, H); inp['b1'] = jnp.zeros((H,), jnp.float32)
    inp['ws2'] = lin(ks[6], H, H); inp['wn2'] = lin(ks[7], H, H); inp['b2'] = jnp.zeros((H,), jnp.float32)
    inp['ws3'] = lin(ks[8], H, H); inp['wn3'] = lin(ks[9], H, H); inp['b3'] = jnp.zeros((H,), jnp.float32)
    inp['fc1_w'] = lin(ks[10], H, 2 * H); inp['fc1_b'] = jnp.zeros((2 * H,), jnp.float32)
    inp['fc2_w'] = lin(ks[11], 2 * H, H); inp['fc2_b'] = jnp.zeros((H,), jnp.float32)
    inp['fc3_w'] = lin(ks[12], H, C); inp['fc3_b'] = jnp.zeros((C,), jnp.float32)
    return inp

def reference(adjacency, input_feature, graph_indicator, labels, gamma2, beta2, gamma3, beta3, ws1, wn1, b1, ws2, wn2, b2, ws3, wn3, b3, fc1_w, fc1_b, fc2_w, fc2_b, fc3_w, fc3_b):
    src = adjacency[0]
    dst = adjacency[1]
    # NOTE: in the original torch code, self.bn1(input_feature) is computed but its
    # result is immediately overwritten (dead code), so it is omitted here.
    x = _sage(input_feature, src, dst, ws1, wn1, b1)
    x = _bn(x, gamma2, beta2)
    x = _sage(x, src, dst, ws2, wn2, b2)
    x = _bn(x, gamma3, beta3)
    x = _sage(x, src, dst, ws3, wn3, b3)
    pooled = jax.ops.segment_sum(x, graph_indicator, num_segments=G)
    h = jax.nn.relu(pooled @ fc1_w + fc1_b)
    h = jax.nn.relu(h @ fc2_w + fc2_b)
    logits = h @ fc3_w + fc3_b
    return logits

if __name__ == "__main__":
    import jax
    _d = setup_inputs()
    print(jax.jit(kernel)(*tuple(_d.values())))

</pallas_src>

<mosaic_0001>
#map = affine_map<(d0, d1) -> (0, 0)>
#map1 = affine_map<(d0, d1) -> (0, 0, 0)>
module attributes {stable_mosaic.version = 14 : i64} {
  func.func @spmm(%arg0: i32, %arg1: i32, %arg2: memref<10016x128xf32, #tpu.memory_space<hbm>>, %arg3: memref<4144x80xi32, #tpu.memory_space<hbm>>, %arg4: memref<4144x80xi32, #tpu.memory_space<hbm>>, %arg5: memref<10016x128xf32, #tpu.memory_space<hbm>>, %arg6: memref<2x10016x128xf32, #tpu.memory_space<hbm>>, %arg7: memref<10016x128xf32, #tpu.memory_space<vmem_shared>>, %arg8: memref<182x80xi32, #tpu.memory_space<vmem>>, %arg9: memref<182x80xi32, #tpu.memory_space<vmem>>, %arg10: memref<80x128xf32, #tpu.memory_space<vmem>>, %arg11: memref<80x128xf32, #tpu.memory_space<vmem>>, %arg12: memref<!tpu.dma_semaphore, #tpu.memory_space<semaphore_mem>>, %arg13: memref<!tpu.dma_semaphore, #tpu.memory_space<semaphore_mem>>) attributes {dimension_semantics = [#tpu.dimension_semantics<core_parallel>, #tpu.dimension_semantics<subcore_parallel>], iteration_bounds = array<i64: 2, 16>, scalar_prefetch = 0 : i64, scratch_operands = 7 : i64, tpu.core_type = #tpu.core_type<sc_vector_subcore>, window_params = [{transform_indices = #map}, {transform_indices = #map}, {transform_indices = #map}, {transform_indices = #map}, {transform_indices = #map1}]} {
    %mul3A = arith.constant 626 : i32
    %mul3A_0 = arith.muli %arg1, %mul3A : i32
    %mul3A_1 = arith.constant 626 : i32
    %mul3A_2 = arith.muli %arg1, %mul3A_1 : i32
    "tpu.region"() ({
      %run_scoped3A = tpu.sem_alloc : memref<!tpu.dma_semaphore, #tpu.memory_space<semaphore_mem>>
      %dma_start3A_51 = arith.constant 0 : i32
      %dma_start3A_52 = tpu.memref_slice %arg7[%mul3A_2, %dma_start3A_51] : memref<10016x128xf32, #tpu.memory_space<vmem_shared>> -> memref<626x128xf32, #tpu.memory_space<vmem_shared>>
      %dma_start3A_53 = arith.constant 0 : i32
      %dma_start3A_54 = tpu.memref_slice %arg5[%mul3A_0, %dma_start3A_53] : memref<10016x128xf32, #tpu.memory_space<hbm>> -> memref<626x128xf32, #tpu.memory_space<hbm>>
      tpu.enqueue_dma source(%dma_start3A_54 : memref<626x128xf32, #tpu.memory_space<hbm>>) target(%dma_start3A_52 : memref<626x128xf32, #tpu.memory_space<vmem_shared>>) target_semaphore(%run_scoped3A : memref<!tpu.dma_semaphore, #tpu.memory_space<semaphore_mem>>)
      %dma_wait3A = arith.constant 0 : i32
      %dma_wait3A_55 = tpu.memref_slice %arg7[%mul3A_2, %dma_wait3A] : memref<10016x128xf32, #tpu.memory_space<vmem_shared>> -> memref<626x128xf32, #tpu.memory_space<vmem_shared>>
      %dma_wait3A_56 = arith.constant 0 : i32
      %dma_wait3A_57 = tpu.memref_slice %arg5[%mul3A_0, %dma_wait3A_56] : memref<10016x128xf32, #tpu.memory_space<hbm>> -> memref<626x128xf32, #tpu.memory_space<hbm>>
      tpu.wait_dma2 semaphore(%run_scoped3A : memref<!tpu.dma_semaphore, #tpu.memory_space<semaphore_mem>>) src(%dma_wait3A_57 : memref<626x128xf32, #tpu.memory_space<hbm>>) dst(%dma_wait3A_55 : memref<626x128xf32, #tpu.memory_space<vmem_shared>>)
      tpu.yield
    }) : () -> ()
    %eq3A = arith.constant 0 : i32
    %eq3A_3 = arith.cmpi eq, %arg0, %eq3A : i32
    %jit3A = arith.constant 182 : i32
    %jit3A_4 = arith.constant 70 : i32
    %select_n3A = arith.select %eq3A_3, %jit3A, %jit3A_4 : i32
    %eq3A_5 = arith.constant 0 : i32
    %eq3A_6 = arith.cmpi eq, %arg0, %eq3A_5 : i32
    %mul3A_7 = arith.constant 182 : i32
    %mul3A_8 = arith.muli %arg1, %mul3A_7 : i32
    %mul3A_9 = arith.constant 70 : i32
    %mul3A_10 = arith.muli %arg1, %mul3A_9 : i32
    %add3A = arith.constant 2912 : i32
    %add3A_11 = arith.addi %add3A, %mul3A_10 : i32
    %select_n3A_12 = arith.select %eq3A_6, %mul3A_8, %add3A_11 : i32
    "tpu.region"() ({
      %run_scoped3A = tpu.sem_alloc : memref<!tpu.dma_semaphore, #tpu.memory_space<semaphore_mem>>
      %dma_start3A_51 = arith.constant 0 : i32
      %dma_start3A_52 = tpu.memref_slice %arg3[%select_n3A_12, %dma_start3A_51] : memref<4144x80xi32, #tpu.memory_space<hbm>> -> memref<182x80xi32, #tpu.memory_space<hbm>>
      %dma_start3A_53 = arith.constant 0 : i32
      %dma_start3A_54 = tpu.memref_slice %arg3[%select_n3A_12, %dma_start3A_53] : memref<4144x80xi32, #tpu.memory_space<hbm>> -> memref<182x80xi32, #tpu.memory_space<hbm>>
      tpu.enqueue_dma source(%dma_start3A_54 : memref<182x80xi32, #tpu.memory_space<hbm>>) target(%arg8 : memref<182x80xi32, #tpu.memory_space<vmem>>) target_semaphore(%run_scoped3A : memref<!tpu.dma_semaphore, #tpu.memory_space<semaphore_mem>>)
      %dma_wait3A = arith.constant 0 : i32
      %dma_wait3A_55 = tpu.memref_slice %arg3[%select_n3A_12, %dma_wait3A] : memref<4144x80xi32, #tpu.memory_space<hbm>> -> memref<182x80xi32, #tpu.memory_space<hbm>>
      %dma_wait3A_56 = arith.constant 0 : i32
      %dma_wait3A_57 = tpu.memref_slice %arg3[%select_n3A_12, %dma_wait3A_56] : memref<4144x80xi32, #tpu.memory_space<hbm>> -> memref<182x80xi32, #tpu.memory_space<hbm>>
      tpu.wait_dma2 semaphore(%run_scoped3A : memref<!tpu.dma_semaphore, #tpu.memory_space<semaphore_mem>>) src(%dma_wait3A_57 : memref<182x80xi32, #tpu.memory_space<hbm>>) dst(%arg8 : memref<182x80xi32, #tpu.memory_space<vmem>>)
      tpu.yield
    }) : () -> ()
    "tpu.region"() ({
      %run_scoped3A = tpu.sem_alloc : memref<!tpu.dma_semaphore, #tpu.memory_space<semaphore_mem>>
      %dma_start3A_51 = arith.constant 0 : i32
      %dma_start3A_52 = tpu.memref_slice %arg4[%select_n3A_12, %dma_start3A_51] : memref<4144x80xi32, #tpu.memory_space<hbm>> -> memref<182x80xi32, #tpu.memory_space<hbm>>
      %dma_start3A_53 = arith.constant 0 : i32
      %dma_start3A_54 = tpu.memref_slice %arg4[%select_n3A_12, %dma_start3A_53] : memref<4144x80xi32, #tpu.memory_space<hbm>> -> memref<182x80xi32, #tpu.memory_space<hbm>>
      tpu.enqueue_dma source(%dma_start3A_54 : memref<182x80xi32, #tpu.memory_space<hbm>>) target(%arg9 : memref<182x80xi32, #tpu.memory_space<vmem>>) target_semaphore(%run_scoped3A : memref<!tpu.dma_semaphore, #tpu.memory_space<semaphore_mem>>)
      %dma_wait3A = arith.constant 0 : i32
      %dma_wait3A_55 = tpu.memref_slice %arg4[%select_n3A_12, %dma_wait3A] : memref<4144x80xi32, #tpu.memory_space<hbm>> -> memref<182x80xi32, #tpu.memory_space<hbm>>
      %dma_wait3A_56 = arith.constant 0 : i32
      %dma_wait3A_57 = tpu.memref_slice %arg4[%select_n3A_12, %dma_wait3A_56] : memref<4144x80xi32, #tpu.memory_space<hbm>> -> memref<182x80xi32, #tpu.memory_space<hbm>>
      tpu.wait_dma2 semaphore(%run_scoped3A : memref<!tpu.dma_semaphore, #tpu.memory_space<semaphore_mem>>) src(%dma_wait3A_57 : memref<182x80xi32, #tpu.memory_space<hbm>>) dst(%arg9 : memref<182x80xi32, #tpu.memory_space<vmem>>)
      tpu.yield
    }) : () -> ()
    %barrier3A = arith.constant 0 : index
    tpu.barrier barrier_id(%barrier3A)
    %dma_start3A = arith.constant 0 : i32
    %dma_start3A_13 = arith.constant 0 : i32
    %dma_start3A_14 = tpu.memref_slice %arg8[%dma_start3A, %dma_start3A_13] : memref<182x80xi32, #tpu.memory_space<vmem>> -> memref<1x80xi32, #tpu.memory_space<vmem>>
    %dma_start3A_15 = tpu.memref_squeeze %dma_start3A_14 : memref<1x80xi32, #tpu.memory_space<vmem>> -> memref<80xi32, #tpu.memory_space<vmem>>
    %dma_start3A_16 = arith.constant 0 : i32
    %dma_start3A_17 = arith.constant 0 : i32
    %dma_start3A_18 = tpu.memref_slice %arg2[%dma_start3A_16, %dma_start3A_17] : memref<10016x128xf32, #tpu.memory_space<hbm>> -> memref<10016x128xf32, #tpu.memory_space<hbm>>
    tpu.enqueue_indirect_dma source(%dma_start3A_18 : memref<10016x128xf32, #tpu.memory_space<hbm>>) target(%arg10 : memref<80x128xf32, #tpu.memory_space<vmem>>) offsets(%dma_start3A_15 : memref<80xi32, #tpu.memory_space<vmem>>) semaphore(%arg12 : memref<!tpu.dma_semaphore, #tpu.memory_space<semaphore_mem>>)
    %jit3A_19 = arith.constant 2 : i32
    %div3A = arith.divsi %select_n3A, %jit3A_19 : i32
    %sign3A = arith.constant 0 : i32
    %sign3A_20 = arith.cmpi sgt, %select_n3A, %sign3A : i32
    %sign3A_21 = arith.extui %sign3A_20 : i1 to i32
    %sign3A_22 = arith.constant 0 : i32
    %sign3A_23 = arith.cmpi slt, %select_n3A, %sign3A_22 : i32
    %sign3A_24 = arith.extui %sign3A_23 : i1 to i32
    %sign3A_25 = arith.subi %sign3A_21, %sign3A_24 : i32
    %sign3A_26 = arith.constant 0 : i32
    %sign3A_27 = arith.cmpi sgt, %jit3A_19, %sign3A_26 : i32
    %sign3A_28 = arith.extui %sign3A_27 : i1 to i32
    %sign3A_29 = arith.constant 0 : i32
    %sign3A_30 = arith.cmpi slt, %jit3A_19, %sign3A_29 : i32
    %sign3A_31 = arith.extui %sign3A_30 : i1 to i32
    %sign3A_32 = arith.subi %sign3A_28, %sign3A_31 : i32
    %ne3A = arith.cmpi ne, %sign3A_25, %sign3A_32 : i32
    %rem3A = arith.remsi %select_n3A, %jit3A_19 : i32
    %ne3A_33 = arith.constant 0 : i32
    %ne3A_34 = arith.cmpi ne, %rem3A, %ne3A_33 : i32
    %and3A = arith.andi %ne3A, %ne3A_34 : i1
    %sub3A = arith.constant 1 : i32
    %sub3A_35 = arith.subi %div3A, %sub3A : i32
    %select_n3A_36 = arith.select %and3A, %sub3A_35, %div3A : i32
    %while3A = arith.constant 0 : i32
    %while3A_37 = arith.constant 0 : i32
    %while3A_38 = arith.subi %select_n3A_36, %while3A_37 : i32
    %while3A_39 = arith.addi %while3A_37, %while3A_38 : i32
    %while3A_40 = arith.constant 1 : i32
    %while3A_41 = arith.divsi %while3A_38, %while3A_40 : i32
    %while3A_42 = arith.muli %while3A_41, %while3A_40 : i32
    %while3A_43 = arith.addi %while3A_37, %while3A_42 : i32
    %while3A_44 = arith.constant 1 : i32
    scf.for %while3A_51 = %while3A_37 to %while3A_43 step %while3A_44  : i32 {
      %mul3A_52 = arith.constant 2 : i32
      %mul3A_53 = arith.muli %while3A_51, %mul3A_52 : i32
      %add3A_54 = arith.constant 1 : i32
      %add3A_55 = arith.addi %mul3A_53, %add3A_54 : i32
      %dma_start3A_56 = arith.constant 0 : i32
      %dma_start3A_57 = tpu.memref_slice %arg8[%add3A_55, %dma_start3A_56] : memref<182x80xi32, #tpu.memory_space<vmem>> -> memref<1x80xi32, #tpu.memory_space<vmem>>
      %dma_start3A_58 = tpu.memref_squeeze %dma_start3A_57 : memref<1x80xi32, #tpu.memory_space<vmem>> -> memref<80xi32, #tpu.memory_space<vmem>>
      %dma_start3A_59 = arith.constant 0 : i32
      %dma_start3A_60 = arith.constant 0 : i32
      %dma_start3A_61 = tpu.memref_slice %arg2[%dma_start3A_59, %dma_start3A_60] : memref<10016x128xf32, #tpu.memory_space<hbm>> -> memref<10016x128xf32, #tpu.memory_space<hbm>>
      tpu.enqueue_indirect_dma source(%dma_start3A_61 : memref<10016x128xf32, #tpu.memory_space<hbm>>) target(%arg11 : memref<80x128xf32, #tpu.memory_space<vmem>>) offsets(%dma_start3A_58 : memref<80xi32, #tpu.memory_space<vmem>>) semaphore(%arg13 : memref<!tpu.dma_semaphore, #tpu.memory_space<semaphore_mem>>)
      %dma_wait3A = arith.constant 0 : i32
      %dma_wait3A_62 = tpu.memref_slice %arg8[%mul3A_53, %dma_wait3A] : memref<182x80xi32, #tpu.memory_space<vmem>> -> memref<1x80xi32, #tpu.memory_space<vmem>>
      %dma_wait3A_63 = tpu.memref_squeeze %dma_wait3A_62 : memref<1x80xi32, #tpu.memory_space<vmem>> -> memref<80xi32, #tpu.memory_space<vmem>>
      %dma_wait3A_64 = arith.constant 0 : i32
      %dma_wait3A_65 = arith.constant 0 : i32
      %dma_wait3A_66 = tpu.memref_slice %arg2[%dma_wait3A_64, %dma_wait3A_65] : memref<10016x128xf32, #tpu.memory_space<hbm>> -> memref<10016x128xf32, #tpu.memory_space<hbm>>
      tpu.wait_indirect_dma semaphore(%arg12 : memref<!tpu.dma_semaphore, #tpu.memory_space<semaphore_mem>>) src(%dma_wait3A_66 : memref<10016x128xf32, #tpu.memory_space<hbm>>) dst(%arg10 : memref<80x128xf32, #tpu.memory_space<vmem>>)
      "tpu.region"() ({
        %run_scoped3A = tpu.sem_alloc : memref<!tpu.dma_semaphore, #tpu.memory_space<semaphore_mem>>
        %dma_start3A_104 = arith.constant 0 : i32
        %dma_start3A_105 = tpu.memref_slice %arg9[%mul3A_53, %dma_start3A_104] : memref<182x80xi32, #tpu.memory_space<vmem>> -> memref<1x80xi32, #tpu.memory_space<vmem>>
        %dma_start3A_106 = tpu.memref_squeeze %dma_start3A_105 : memref<1x80xi32, #tpu.memory_space<vmem>> -> memref<80xi32, #tpu.memory_space<vmem>>
        %dma_start3A_107 = arith.constant 0 : i32
        %dma_start3A_108 = arith.constant 0 : i32
        %dma_start3A_109 = tpu.memref_slice %arg7[%dma_start3A_107, %dma_start3A_108] : memref<10016x128xf32, #tpu.memory_space<vmem_shared>> -> memref<10016x128xf32, #tpu.memory_space<vmem_shared>>
        tpu.enqueue_indirect_dma source(%arg10 : memref<80x128xf32, #tpu.memory_space<vmem>>) target(%dma_start3A_109 : memref<10016x128xf32, #tpu.memory_space<vmem_shared>>) offsets(%dma_start3A_106 : memref<80xi32, #tpu.memory_space<vmem>>) semaphore(%run_scoped3A : memref<!tpu.dma_semaphore, #tpu.memory_space<semaphore_mem>>) {add = true}
        %dma_wait3A_110 = arith.constant 0 : i32
        %dma_wait3A_111 = tpu.memref_slice %arg9[%mul3A_53, %dma_wait3A_110] : memref<182x80xi32, #tpu.memory_space<vmem>> -> memref<1x80xi32, #tpu.memory_space<vmem>>
        %dma_wait3A_112 = tpu.memref_squeeze %dma_wait3A_111 : memref<1x80xi32, #tpu.memory_space<vmem>> -> memref<80xi32, #tpu.memory_space<vmem>>
        %dma_wait3A_113 = arith.constant 0 : i32
        %dma_wait3A_114 = arith.constant 0 : i32
        %dma_wait3A_115 = tpu.memref_slice %arg7[%dma_wait3A_113, %dma_wait3A_114] : memref<10016x128xf32, #tpu.memory_space<vmem_shared>> -> memref<10016x128xf32, #tpu.memory_space<vmem_shared>>
        tpu.wait_indirect_dma semaphore(%run_scoped3A : memref<!tpu.dma_semaphore, #tpu.memory_space<semaphore_mem>>) src(%arg10 : memref<80x128xf32, #tpu.memory_space<vmem>>) dst(%dma_wait3A_115 : memref<10016x128xf32, #tpu.memory_space<vmem_shared>>)
        tpu.yield
      }) : () -> ()
      %jit3A_67 = arith.constant 2 : i32
      %div3A_68 = arith.divsi %select_n3A, %jit3A_67 : i32
      %sign3A_69 = arith.constant 0 : i32
      %sign3A_70 = arith.cmpi sgt, %select_n3A, %sign3A_69 : i32
      %sign3A_71 = arith.extui %sign3A_70 : i1 to i32
      %sign3A_72 = arith.constant 0 : i32
      %sign3A_73 = arith.cmpi slt, %select_n3A, %sign3A_72 : i32
      %sign3A_74 = arith.extui %sign3A_73 : i1 to i32
      %sign3A_75 = arith.subi %sign3A_71, %sign3A_74 : i32
      %sign3A_76 = arith.constant 0 : i32
      %sign3A_77 = arith.cmpi sgt, %jit3A_67, %sign3A_76 : i32
      %sign3A_78 = arith.extui %sign3A_77 : i1 to i32
      %sign3A_79 = arith.constant 0 : i32
      %sign3A_80 = arith.cmpi slt, %jit3A_67, %sign3A_79 : i32
      %sign3A_81 = arith.extui %sign3A_80 : i1 to i32
      %sign3A_82 = arith.subi %sign3A_78, %sign3A_81 : i32
      %ne3A_83 = arith.cmpi ne, %sign3A_75, %sign3A_82 : i32
      %rem3A_84 = arith.remsi %select_n3A, %jit3A_67 : i32
      %ne3A_85 = arith.constant 0 : i32
      %ne3A_86 = arith.cmpi ne, %rem3A_84, %ne3A_85 : i32
      %and3A_87 = arith.andi %ne3A_83, %ne3A_86 : i1
      %sub3A_88 = arith.constant 1 : i32
      %sub3A_89 = arith.subi %div3A_68, %sub3A_88 : i32
      %select_n3A_90 = arith.select %and3A_87, %sub3A_89, %div3A_68 : i32
      %sub3A_91 = arith.constant 1 : i32
      %sub3A_92 = arith.subi %select_n3A_90, %sub3A_91 : i32
      %lt3A = arith.cmpi slt, %while3A_51, %sub3A_92 : i32
      %convert_element_type3A = arith.extui %lt3A : i1 to i32
      %cond3A = arith.constant 0 : i32
      %cond3A_93 = arith.cmpi ne, %convert_element_type3A, %cond3A : i32
      scf.if %cond3A_93 {
        %add3A_104 = arith.constant 2 : i32
        %add3A_105 = arith.addi %mul3A_53, %add3A_104 : i32
        %dma_start3A_106 = arith.constant 0 : i32
        %dma_start3A_107 = tpu.memref_slice %arg8[%add3A_105, %dma_start3A_106] : memref<182x80xi32, #tpu.memory_space<vmem>> -> memref<1x80xi32, #tpu.memory_space<vmem>>
        %dma_start3A_108 = tpu.memref_squeeze %dma_start3A_107 : memref<1x80xi32, #tpu.memory_space<vmem>> -> memref<80xi32, #tpu.memory_space<vmem>>
        %dma_start3A_109 = arith.constant 0 : i32
        %dma_start3A_110 = arith.constant 0 : i32
        %dma_start3A_111 = tpu.memref_slice %arg2[%dma_start3A_109, %dma_start3A_110] : memref<10016x128xf32, #tpu.memory_space<hbm>> -> memref<10016x128xf32, #tpu.memory_space<hbm>>
        tpu.enqueue_indirect_dma source(%dma_start3A_111 : memref<10016x128xf32, #tpu.memory_space<hbm>>) target(%arg10 : memref<80x128xf32, #tpu.memory_space<vmem>>) offsets(%dma_start3A_108 : memref<80xi32, #tpu.memory_space<vmem>>) semaphore(%arg12 : memref<!tpu.dma_semaphore, #tpu.memory_space<semaphore_mem>>)
      } else {
      }
      %add3A_94 = arith.constant 1 : i32
      %add3A_95 = arith.addi %mul3A_53, %add3A_94 : i32
      %dma_wait3A_96 = arith.constant 0 : i32
      %dma_wait3A_97 = tpu.memref_slice %arg8[%add3A_95, %dma_wait3A_96] : memref<182x80xi32, #tpu.memory_space<vmem>> -> memref<1x80xi32, #tpu.memory_space<vmem>>
      %dma_wait3A_98 = tpu.memref_squeeze %dma_wait3A_97 : memref<1x80xi32, #tpu.memory_space<vmem>> -> memref<80xi32, #tpu.memory_space<vmem>>
      %dma_wait3A_99 = arith.constant 0 : i32
      %dma_wait3A_100 = arith.constant 0 : i32
      %dma_wait3A_101 = tpu.memref_slice %arg2[%dma_wait3A_99, %dma_wait3A_100] : memref<10016x128xf32, #tpu.memory_space<hbm>> -> memref<10016x128xf32, #tpu.memory_space<hbm>>
      tpu.wait_indirect_dma semaphore(%arg13 : memref<!tpu.dma_semaphore, #tpu.memory_space<semaphore_mem>>) src(%dma_wait3A_101 : memref<10016x128xf32, #tpu.memory_space<hbm>>) dst(%arg11 : memref<80x128xf32, #tpu.memory_space<vmem>>)
      %add3A_102 = arith.constant 1 : i32
      %add3A_103 = arith.addi %mul3A_53, %add3A_102 : i32
      "tpu.region"() ({
        %run_scoped3A = tpu.sem_alloc : memref<!tpu.dma_semaphore, #tpu.memory_space<semaphore_mem>>
        %dma_start3A_104 = arith.constant 0 : i32
        %dma_start3A_105 = tpu.memref_slice %arg9[%add3A_103, %dma_start3A_104] : memref<182x80xi32, #tpu.memory_space<vmem>> -> memref<1x80xi32, #tpu.memory_space<vmem>>
        %dma_start3A_106 = tpu.memref_squeeze %dma_start3A_105 : memref<1x80xi32, #tpu.memory_space<vmem>> -> memref<80xi32, #tpu.memory_space<vmem>>
        %dma_start3A_107 = arith.constant 0 : i32
        %dma_start3A_108 = arith.constant 0 : i32
        %dma_start3A_109 = tpu.memref_slice %arg7[%dma_start3A_107, %dma_start3A_108] : memref<10016x128xf32, #tpu.memory_space<vmem_shared>> -> memref<10016x128xf32, #tpu.memory_space<vmem_shared>>
        tpu.enqueue_indirect_dma source(%arg11 : memref<80x128xf32, #tpu.memory_space<vmem>>) target(%dma_start3A_109 : memref<10016x128xf32, #tpu.memory_space<vmem_shared>>) offsets(%dma_start3A_106 : memref<80xi32, #tpu.memory_space<vmem>>) semaphore(%run_scoped3A : memref<!tpu.dma_semaphore, #tpu.memory_space<semaphore_mem>>) {add = true}
        %dma_wait3A_110 = arith.constant 0 : i32
        %dma_wait3A_111 = tpu.memref_slice %arg9[%add3A_103, %dma_wait3A_110] : memref<182x80xi32, #tpu.memory_space<vmem>> -> memref<1x80xi32, #tpu.memory_space<vmem>>
        %dma_wait3A_112 = tpu.memref_squeeze %dma_wait3A_111 : memref<1x80xi32, #tpu.memory_space<vmem>> -> memref<80xi32, #tpu.memory_space<vmem>>
        %dma_wait3A_113 = arith.constant 0 : i32
        %dma_wait3A_114 = arith.constant 0 : i32
        %dma_wait3A_115 = tpu.memref_slice %arg7[%dma_wait3A_113, %dma_wait3A_114] : memref<10016x128xf32, #tpu.memory_space<vmem_shared>> -> memref<10016x128xf32, #tpu.memory_space<vmem_shared>>
        tpu.wait_indirect_dma semaphore(%run_scoped3A : memref<!tpu.dma_semaphore, #tpu.memory_space<semaphore_mem>>) src(%arg11 : memref<80x128xf32, #tpu.memory_space<vmem>>) dst(%dma_wait3A_115 : memref<10016x128xf32, #tpu.memory_space<vmem_shared>>)
        tpu.yield
      }) : () -> ()
    }
    %while3A_45 = arith.constant 1 : i32
    scf.for %while3A_51 = %while3A_43 to %while3A_39 step %while3A_45  : i32 {
      %mul3A_52 = arith.constant 2 : i32
      %mul3A_53 = arith.muli %while3A_51, %mul3A_52 : i32
      %add3A_54 = arith.constant 1 : i32
      %add3A_55 = arith.addi %mul3A_53, %add3A_54 : i32
      %dma_start3A_56 = arith.constant 0 : i32
      %dma_start3A_57 = tpu.memref_slice %arg8[%add3A_55, %dma_start3A_56] : memref<182x80xi32, #tpu.memory_space<vmem>> -> memref<1x80xi32, #tpu.memory_space<vmem>>
      %dma_start3A_58 = tpu.memref_squeeze %dma_start3A_57 : memref<1x80xi32, #tpu.memory_space<vmem>> -> memref<80xi32, #tpu.memory_space<vmem>>
      %dma_start3A_59 = arith.constant 0 : i32
      %dma_start3A_60 = arith.constant 0 : i32
      %dma_start3A_61 = tpu.memref_slice %arg2[%dma_start3A_59, %dma_start3A_60] : memref<10016x128xf32, #tpu.memory_space<hbm>> -> memref<10016x128xf32, #tpu.memory_space<hbm>>
      tpu.enqueue_indirect_dma source(%dma_start3A_61 : memref<10016x128xf32, #tpu.memory_space<hbm>>) target(%arg11 : memref<80x128xf32, #tpu.memory_space<vmem>>) offsets(%dma_start3A_58 : memref<80xi32, #tpu.memory_space<vmem>>) semaphore(%arg13 : memref<!tpu.dma_semaphore, #tpu.memory_space<semaphore_mem>>)
      %dma_wait3A = arith.constant 0 : i32
      %dma_wait3A_62 = tpu.memref_slice %arg8[%mul3A_53, %dma_wait3A] : memref<182x80xi32, #tpu.memory_space<vmem>> -> memref<1x80xi32, #tpu.memory_space<vmem>>
      %dma_wait3A_63 = tpu.memref_squeeze %dma_wait3A_62 : memref<1x80xi32, #tpu.memory_space<vmem>> -> memref<80xi32, #tpu.memory_space<vmem>>
      %dma_wait3A_64 = arith.constant 0 : i32
      %dma_wait3A_65 = arith.constant 0 : i32
      %dma_wait3A_66 = tpu.memref_slice %arg2[%dma_wait3A_64, %dma_wait3A_65] : memref<10016x128xf32, #tpu.memory_space<hbm>> -> memref<10016x128xf32, #tpu.memory_space<hbm>>
      tpu.wait_indirect_dma semaphore(%arg12 : memref<!tpu.dma_semaphore, #tpu.memory_space<semaphore_mem>>) src(%dma_wait3A_66 : memref<10016x128xf32, #tpu.memory_space<hbm>>) dst(%arg10 : memref<80x128xf32, #tpu.memory_space<vmem>>)
      "tpu.region"() ({
        %run_scoped3A = tpu.sem_alloc : memref<!tpu.dma_semaphore, #tpu.memory_space<semaphore_mem>>
        %dma_start3A_104 = arith.constant 0 : i32
        %dma_start3A_105 = tpu.memref_slice %arg9[%mul3A_53, %dma_start3A_104] : memref<182x80xi32, #tpu.memory_space<vmem>> -> memref<1x80xi32, #tpu.memory_space<vmem>>
        %dma_start3A_106 = tpu.memref_squeeze %dma_start3A_105 : memref<1x80xi32, #tpu.memory_space<vmem>> -> memref<80xi32, #tpu.memory_space<vmem>>
        %dma_start3A_107 = arith.constant 0 : i32
        %dma_start3A_108 = arith.constant 0 : i32
        %dma_start3A_109 = tpu.memref_slice %arg7[%dma_start3A_107, %dma_start3A_108] : memref<10016x128xf32, #tpu.memory_space<vmem_shared>> -> memref<10016x128xf32, #tpu.memory_space<vmem_shared>>
        tpu.enqueue_indirect_dma source(%arg10 : memref<80x128xf32, #tpu.memory_space<vmem>>) target(%dma_start3A_109 : memref<10016x128xf32, #tpu.memory_space<vmem_shared>>) offsets(%dma_start3A_106 : memref<80xi32, #tpu.memory_space<vmem>>) semaphore(%run_scoped3A : memref<!tpu.dma_semaphore, #tpu.memory_space<semaphore_mem>>) {add = true}
        %dma_wait3A_110 = arith.constant 0 : i32
        %dma_wait3A_111 = tpu.memref_slice %arg9[%mul3A_53, %dma_wait3A_110] : memref<182x80xi32, #tpu.memory_space<vmem>> -> memref<1x80xi32, #tpu.memory_space<vmem>>
        %dma_wait3A_112 = tpu.memref_squeeze %dma_wait3A_111 : memref<1x80xi32, #tpu.memory_space<vmem>> -> memref<80xi32, #tpu.memory_space<vmem>>
        %dma_wait3A_113 = arith.constant 0 : i32
        %dma_wait3A_114 = arith.constant 0 : i32
        %dma_wait3A_115 = tpu.memref_slice %arg7[%dma_wait3A_113, %dma_wait3A_114] : memref<10016x128xf32, #tpu.memory_space<vmem_shared>> -> memref<10016x128xf32, #tpu.memory_space<vmem_shared>>
        tpu.wait_indirect_dma semaphore(%run_scoped3A : memref<!tpu.dma_semaphore, #tpu.memory_space<semaphore_mem>>) src(%arg10 : memref<80x128xf32, #tpu.memory_space<vmem>>) dst(%dma_wait3A_115 : memref<10016x128xf32, #tpu.memory_space<vmem_shared>>)
        tpu.yield
      }) : () -> ()
      %jit3A_67 = arith.constant 2 : i32
      %div3A_68 = arith.divsi %select_n3A, %jit3A_67 : i32
      %sign3A_69 = arith.constant 0 : i32
      %sign3A_70 = arith.cmpi sgt, %select_n3A, %sign3A_69 : i32
      %sign3A_71 = arith.extui %sign3A_70 : i1 to i32
      %sign3A_72 = arith.constant 0 : i32
      %sign3A_73 = arith.cmpi slt, %select_n3A, %sign3A_72 : i32
      %sign3A_74 = arith.extui %sign3A_73 : i1 to i32
      %sign3A_75 = arith.subi %sign3A_71, %sign3A_74 : i32
      %sign3A_76 = arith.constant 0 : i32
      %sign3A_77 = arith.cmpi sgt, %jit3A_67, %sign3A_76 : i32
      %sign3A_78 = arith.extui %sign3A_77 : i1 to i32
      %sign3A_79 = arith.constant 0 : i32
      %sign3A_80 = arith.cmpi slt, %jit3A_67, %sign3A_79 : i32
      %sign3A_81 = arith.extui %sign3A_80 : i1 to i32
      %sign3A_82 = arith.subi %sign3A_78, %sign3A_81 : i32
      %ne3A_83 = arith.cmpi ne, %sign3A_75, %sign3A_82 : i32
      %rem3A_84 = arith.remsi %select_n3A, %jit3A_67 : i32
      %ne3A_85 = arith.constant 0 : i32
      %ne3A_86 = arith.cmpi ne, %rem3A_84, %ne3A_85 : i32
      %and3A_87 = arith.andi %ne3A_83, %ne3A_86 : i1
      %sub3A_88 = arith.constant 1 : i32
      %sub3A_89 = arith.subi %div3A_68, %sub3A_88 : i32
      %select_n3A_90 = arith.select %and3A_87, %sub3A_89, %div3A_68 : i32
      %sub3A_91 = arith.constant 1 : i32
      %sub3A_92 = arith.subi %select_n3A_90, %sub3A_91 : i32
      %lt3A = arith.cmpi slt, %while3A_51, %sub3A_92 : i32
      %convert_element_type3A = arith.extui %lt3A : i1 to i32
      %cond3A = arith.constant 0 : i32
      %cond3A_93 = arith.cmpi ne, %convert_element_type3A, %cond3A : i32
      scf.if %cond3A_93 {
        %add3A_104 = arith.constant 2 : i32
        %add3A_105 = arith.addi %mul3A_53, %add3A_104 : i32
        %dma_start3A_106 = arith.constant 0 : i32
        %dma_start3A_107 = tpu.memref_slice %arg8[%add3A_105, %dma_start3A_106] : memref<182x80xi32, #tpu.memory_space<vmem>> -> memref<1x80xi32, #tpu.memory_space<vmem>>
        %dma_start3A_108 = tpu.memref_squeeze %dma_start3A_107 : memref<1x80xi32, #tpu.memory_space<vmem>> -> memref<80xi32, #tpu.memory_space<vmem>>
        %dma_start3A_109 = arith.constant 0 : i32
        %dma_start3A_110 = arith.constant 0 : i32
        %dma_start3A_111 = tpu.memref_slice %arg2[%dma_start3A_109, %dma_start3A_110] : memref<10016x128xf32, #tpu.memory_space<hbm>> -> memref<10016x128xf32, #tpu.memory_space<hbm>>
        tpu.enqueue_indirect_dma source(%dma_start3A_111 : memref<10016x128xf32, #tpu.memory_space<hbm>>) target(%arg10 : memref<80x128xf32, #tpu.memory_space<vmem>>) offsets(%dma_start3A_108 : memref<80xi32, #tpu.memory_space<vmem>>) semaphore(%arg12 : memref<!tpu.dma_semaphore, #tpu.memory_space<semaphore_mem>>)
      } else {
      }
      %add3A_94 = arith.constant 1 : i32
      %add3A_95 = arith.addi %mul3A_53, %add3A_94 : i32
      %dma_wait3A_96 = arith.constant 0 : i32
      %dma_wait3A_97 = tpu.memref_slice %arg8[%add3A_95, %dma_wait3A_96] : memref<182x80xi32, #tpu.memory_space<vmem>> -> memref<1x80xi32, #tpu.memory_space<vmem>>
      %dma_wait3A_98 = tpu.memref_squeeze %dma_wait3A_97 : memref<1x80xi32, #tpu.memory_space<vmem>> -> memref<80xi32, #tpu.memory_space<vmem>>
      %dma_wait3A_99 = arith.constant 0 : i32
      %dma_wait3A_100 = arith.constant 0 : i32
      %dma_wait3A_101 = tpu.memref_slice %arg2[%dma_wait3A_99, %dma_wait3A_100] : memref<10016x128xf32, #tpu.memory_space<hbm>> -> memref<10016x128xf32, #tpu.memory_space<hbm>>
      tpu.wait_indirect_dma semaphore(%arg13 : memref<!tpu.dma_semaphore, #tpu.memory_space<semaphore_mem>>) src(%dma_wait3A_101 : memref<10016x128xf32, #tpu.memory_space<hbm>>) dst(%arg11 : memref<80x128xf32, #tpu.memory_space<vmem>>)
      %add3A_102 = arith.constant 1 : i32
      %add3A_103 = arith.addi %mul3A_53, %add3A_102 : i32
      "tpu.region"() ({
        %run_scoped3A = tpu.sem_alloc : memref<!tpu.dma_semaphore, #tpu.memory_space<semaphore_mem>>
        %dma_start3A_104 = arith.constant 0 : i32
        %dma_start3A_105 = tpu.memref_slice %arg9[%add3A_103, %dma_start3A_104] : memref<182x80xi32, #tpu.memory_space<vmem>> -> memref<1x80xi32, #tpu.memory_space<vmem>>
        %dma_start3A_106 = tpu.memref_squeeze %dma_start3A_105 : memref<1x80xi32, #tpu.memory_space<vmem>> -> memref<80xi32, #tpu.memory_space<vmem>>
        %dma_start3A_107 = arith.constant 0 : i32
        %dma_start3A_108 = arith.constant 0 : i32
        %dma_start3A_109 = tpu.memref_slice %arg7[%dma_start3A_107, %dma_start3A_108] : memref<10016x128xf32, #tpu.memory_space<vmem_shared>> -> memref<10016x128xf32, #tpu.memory_space<vmem_shared>>
        tpu.enqueue_indirect_dma source(%arg11 : memref<80x128xf32, #tpu.memory_space<vmem>>) target(%dma_start3A_109 : memref<10016x128xf32, #tpu.memory_space<vmem_shared>>) offsets(%dma_start3A_106 : memref<80xi32, #tpu.memory_space<vmem>>) semaphore(%run_scoped3A : memref<!tpu.dma_semaphore, #tpu.memory_space<semaphore_mem>>) {add = true}
        %dma_wait3A_110 = arith.constant 0 : i32
        %dma_wait3A_111 = tpu.memref_slice %arg9[%add3A_103, %dma_wait3A_110] : memref<182x80xi32, #tpu.memory_space<vmem>> -> memref<1x80xi32, #tpu.memory_space<vmem>>
        %dma_wait3A_112 = tpu.memref_squeeze %dma_wait3A_111 : memref<1x80xi32, #tpu.memory_space<vmem>> -> memref<80xi32, #tpu.memory_space<vmem>>
        %dma_wait3A_113 = arith.constant 0 : i32
        %dma_wait3A_114 = arith.constant 0 : i32
        %dma_wait3A_115 = tpu.memref_slice %arg7[%dma_wait3A_113, %dma_wait3A_114] : memref<10016x128xf32, #tpu.memory_space<vmem_shared>> -> memref<10016x128xf32, #tpu.memory_space<vmem_shared>>
        tpu.wait_indirect_dma semaphore(%run_scoped3A : memref<!tpu.dma_semaphore, #tpu.memory_space<semaphore_mem>>) src(%arg11 : memref<80x128xf32, #tpu.memory_space<vmem>>) dst(%dma_wait3A_115 : memref<10016x128xf32, #tpu.memory_space<vmem_shared>>)
        tpu.yield
      }) : () -> ()
    }
    %barrier3A_46 = arith.constant 0 : index
    tpu.barrier barrier_id(%barrier3A_46)
    %mul3A_47 = arith.constant 626 : i32
    %mul3A_48 = arith.muli %arg1, %mul3A_47 : i32
    %mul3A_49 = arith.constant 626 : i32
    %mul3A_50 = arith.muli %arg1, %mul3A_49 : i32
    "tpu.region"() ({
      %run_scoped3A = tpu.sem_alloc : memref<!tpu.dma_semaphore, #tpu.memory_space<semaphore_mem>>
      %dma_start3A_51 = arith.constant 0 : i32
      %dma_start3A_52 = arith.constant 0 : i32
      %dma_start3A_53 = tpu.memref_slice %arg6[%arg0, %dma_start3A_51, %dma_start3A_52] : memref<2x10016x128xf32, #tpu.memory_space<hbm>> -> memref<1x10016x128xf32, #tpu.memory_space<hbm>>
      %dma_start3A_54 = tpu.memref_squeeze %dma_start3A_53 : memref<1x10016x128xf32, #tpu.memory_space<hbm>> -> memref<10016x128xf32, #tpu.memory_space<hbm>>
      %dma_start3A_55 = arith.constant 0 : i32
      %dma_start3A_56 = tpu.memref_slice %dma_start3A_54[%mul3A_50, %dma_start3A_55] : memref<10016x128xf32, #tpu.memory_space<hbm>> -> memref<626x128xf32, #tpu.memory_space<hbm>>
      %dma_start3A_57 = arith.constant 0 : i32
      %dma_start3A_58 = tpu.memref_slice %arg7[%mul3A_48, %dma_start3A_57] : memref<10016x128xf32, #tpu.memory_space<vmem_shared>> -> memref<626x128xf32, #tpu.memory_space<vmem_shared>>
      tpu.enqueue_dma source(%dma_start3A_58 : memref<626x128xf32, #tpu.memory_space<vmem_shared>>) target(%dma_start3A_56 : memref<626x128xf32, #tpu.memory_space<hbm>>) target_semaphore(%run_scoped3A : memref<!tpu.dma_semaphore, #tpu.memory_space<semaphore_mem>>)
      %dma_wait3A = arith.constant 0 : i32
      %dma_wait3A_59 = arith.constant 0 : i32
      %dma_wait3A_60 = tpu.memref_slice %arg6[%arg0, %dma_wait3A, %dma_wait3A_59] : memref<2x10016x128xf32, #tpu.memory_space<hbm>> -> memref<1x10016x128xf32, #tpu.memory_space<hbm>>
      %dma_wait3A_61 = tpu.memref_squeeze %dma_wait3A_60 : memref<1x10016x128xf32, #tpu.memory_space<hbm>> -> memref<10016x128xf32, #tpu.memory_space<hbm>>
      %dma_wait3A_62 = arith.constant 0 : i32
      %dma_wait3A_63 = tpu.memref_slice %dma_wait3A_61[%mul3A_50, %dma_wait3A_62] : memref<10016x128xf32, #tpu.memory_space<hbm>> -> memref<626x128xf32, #tpu.memory_space<hbm>>
      %dma_wait3A_64 = arith.constant 0 : i32
      %dma_wait3A_65 = tpu.memref_slice %arg7[%mul3A_48, %dma_wait3A_64] : memref<10016x128xf32, #tpu.memory_space<vmem_shared>> -> memref<626x128xf32, #tpu.memory_space<vmem_shared>>
      tpu.wait_dma2 semaphore(%run_scoped3A : memref<!tpu.dma_semaphore, #tpu.memory_space<semaphore_mem>>) src(%dma_wait3A_65 : memref<626x128xf32, #tpu.memory_space<vmem_shared>>) dst(%dma_wait3A_63 : memref<626x128xf32, #tpu.memory_space<hbm>>)
      tpu.yield
    }) : () -> ()
    return
  }
}

#map = affine_map<(d0, d1) -> (0, 0)>
#map1 = affine_map<(d0, d1) -> (0, 0, 0)>
module attributes {stable_mosaic.version = 14 : i64} {
  func.func @spmm(%arg0: i32, %arg1: i32, %arg2: memref<10016x144xf32, #tpu.memory_space<hbm>>, %arg3: memref<5056x64xi32, #tpu.memory_space<hbm>>, %arg4: memref<5056x64xi32, #tpu.memory_space<hbm>>, %arg5: memref<10016x144xf32, #tpu.memory_space<hbm>>, %arg6: memref<2x10016x144xf32, #tpu.memory_space<hbm>>, %arg7: memref<10016x144xf32, #tpu.memory_space<vmem_shared>>, %arg8: memref<158x64xi32, #tpu.memory_space<vmem>>, %arg9: memref<158x64xi32, #tpu.memory_space<vmem>>, %arg10: memref<64x144xf32, #tpu.memory_space<vmem>>, %arg11: memref<64x144xf32, #tpu.memory_space<vmem>>, %arg12: memref<!tpu.dma_semaphore, #tpu.memory_space<semaphore_mem>>, %arg13: memref<!tpu.dma_semaphore, #tpu.memory_space<semaphore_mem>>) attributes {dimension_semantics = [#tpu.dimension_semantics<core_parallel>, #tpu.dimension_semantics<subcore_parallel>], iteration_bounds = array<i64: 2, 16>, scalar_prefetch = 0 : i64, scratch_operands = 7 : i64, tpu.core_type = #tpu.core_type<sc_vector_subcore>, window_params = [{transform_indices = #map}, {transform_indices = #map}, {transform_indices = #map}, {transform_indices = #map}, {transform_indices = #map1}]} {
    %mul3A = arith.constant 626 : i32
    %mul3A_0 = arith.muli %arg1, %mul3A : i32
    %mul3A_1 = arith.constant 626 : i32
    %mul3A_2 = arith.muli %arg1, %mul3A_1 : i32
    "tpu.region"() ({
      %run_scoped3A = tpu.sem_alloc : memref<!tpu.dma_semaphore, #tpu.memory_space<semaphore_mem>>
      %dma_start3A_51 = arith.constant 0 : i32
      %dma_start3A_52 = tpu.memref_slice %arg7[%mul3A_2, %dma_start3A_51] : memref<10016x144xf32, #tpu.memory_space<vmem_shared>> -> memref<626x144xf32, #tpu.memory_space<vmem_shared>>
      %dma_start3A_53 = arith.constant 0 : i32
      %dma_start3A_54 = tpu.memref_slice %arg5[%mul3A_0, %dma_start3A_53] : memref<10016x144xf32, #tpu.memory_space<hbm>> -> memref<626x144xf32, #tpu.memory_space<hbm>>
      tpu.enqueue_dma source(%dma_start3A_54 : memref<626x144xf32, #tpu.memory_space<hbm>>) target(%dma_start3A_52 : memref<626x144xf32, #tpu.memory_space<vmem_shared>>) target_semaphore(%run_scoped3A : memref<!tpu.dma_semaphore, #tpu.memory_space<semaphore_mem>>)
      %dma_wait3A = arith.constant 0 : i32
      %dma_wait3A_55 = tpu.memref_slice %arg7[%mul3A_2, %dma_wait3A] : memref<10016x144xf32, #tpu.memory_space<vmem_shared>> -> memref<626x144xf32, #tpu.memory_space<vmem_shared>>
      %dma_wait3A_56 = arith.constant 0 : i32
      %dma_wait3A_57 = tpu.memref_slice %arg5[%mul3A_0, %dma_wait3A_56] : memref<10016x144xf32, #tpu.memory_space<hbm>> -> memref<626x144xf32, #tpu.memory_space<hbm>>
      tpu.wait_dma2 semaphore(%run_scoped3A : memref<!tpu.dma_semaphore, #tpu.memory_space<semaphore_mem>>) src(%dma_wait3A_57 : memref<626x144xf32, #tpu.memory_space<hbm>>) dst(%dma_wait3A_55 : memref<626x144xf32, #tpu.memory_space<vmem_shared>>)
      tpu.yield
    }) : () -> ()
    %eq3A = arith.constant 0 : i32
    %eq3A_3 = arith.cmpi eq, %arg0, %eq3A : i32
    %jit3A = arith.constant 158 : i32
    %jit3A_4 = arith.constant 158 : i32
    %select_n3A = arith.select %eq3A_3, %jit3A, %jit3A_4 : i32
    %eq3A_5 = arith.constant 0 : i32
    %eq3A_6 = arith.cmpi eq, %arg0, %eq3A_5 : i32
    %mul3A_7 = arith.constant 158 : i32
    %mul3A_8 = arith.muli %arg1, %mul3A_7 : i32
    %mul3A_9 = arith.constant 158 : i32
    %mul3A_10 = arith.muli %arg1, %mul3A_9 : i32
    %add3A = arith.constant 2528 : i32
    %add3A_11 = arith.addi %add3A, %mul3A_10 : i32
    %select_n3A_12 = arith.select %eq3A_6, %mul3A_8, %add3A_11 : i32
    "tpu.region"() ({
      %run_scoped3A = tpu.sem_alloc : memref<!tpu.dma_semaphore, #tpu.memory_space<semaphore_mem>>
      %dma_start3A_51 = arith.constant 0 : i32
      %dma_start3A_52 = tpu.memref_slice %arg3[%select_n3A_12, %dma_start3A_51] : memref<5056x64xi32, #tpu.memory_space<hbm>> -> memref<158x64xi32, #tpu.memory_space<hbm>>
      %dma_start3A_53 = arith.constant 0 : i32
      %dma_start3A_54 = tpu.memref_slice %arg3[%select_n3A_12, %dma_start3A_53] : memref<5056x64xi32, #tpu.memory_space<hbm>> -> memref<158x64xi32, #tpu.memory_space<hbm>>
      tpu.enqueue_dma source(%dma_start3A_54 : memref<158x64xi32, #tpu.memory_space<hbm>>) target(%arg8 : memref<158x64xi32, #tpu.memory_space<vmem>>) target_semaphore(%run_scoped3A : memref<!tpu.dma_semaphore, #tpu.memory_space<semaphore_mem>>)
      %dma_wait3A = arith.constant 0 : i32
      %dma_wait3A_55 = tpu.memref_slice %arg3[%select_n3A_12, %dma_wait3A] : memref<5056x64xi32, #tpu.memory_space<hbm>> -> memref<158x64xi32, #tpu.memory_space<hbm>>
      %dma_wait3A_56 = arith.constant 0 : i32
      %dma_wait3A_57 = tpu.memref_slice %arg3[%select_n3A_12, %dma_wait3A_56] : memref<5056x64xi32, #tpu.memory_space<hbm>> -> memref<158x64xi32, #tpu.memory_space<hbm>>
      tpu.wait_dma2 semaphore(%run_scoped3A : memref<!tpu.dma_semaphore, #tpu.memory_space<semaphore_mem>>) src(%dma_wait3A_57 : memref<158x64xi32, #tpu.memory_space<hbm>>) dst(%arg8 : memref<158x64xi32, #tpu.memory_space<vmem>>)
      tpu.yield
    }) : () -> ()
    "tpu.region"() ({
      %run_scoped3A = tpu.sem_alloc : memref<!tpu.dma_semaphore, #tpu.memory_space<semaphore_mem>>
      %dma_start3A_51 = arith.constant 0 : i32
      %dma_start3A_52 = tpu.memref_slice %arg4[%select_n3A_12, %dma_start3A_51] : memref<5056x64xi32, #tpu.memory_space<hbm>> -> memref<158x64xi32, #tpu.memory_space<hbm>>
      %dma_start3A_53 = arith.constant 0 : i32
      %dma_start3A_54 = tpu.memref_slice %arg4[%select_n3A_12, %dma_start3A_53] : memref<5056x64xi32, #tpu.memory_space<hbm>> -> memref<158x64xi32, #tpu.memory_space<hbm>>
      tpu.enqueue_dma source(%dma_start3A_54 : memref<158x64xi32, #tpu.memory_space<hbm>>) target(%arg9 : memref<158x64xi32, #tpu.memory_space<vmem>>) target_semaphore(%run_scoped3A : memref<!tpu.dma_semaphore, #tpu.memory_space<semaphore_mem>>)
      %dma_wait3A = arith.constant 0 : i32
      %dma_wait3A_55 = tpu.memref_slice %arg4[%select_n3A_12, %dma_wait3A] : memref<5056x64xi32, #tpu.memory_space<hbm>> -> memref<158x64xi32, #tpu.memory_space<hbm>>
      %dma_wait3A_56 = arith.constant 0 : i32
      %dma_wait3A_57 = tpu.memref_slice %arg4[%select_n3A_12, %dma_wait3A_56] : memref<5056x64xi32, #tpu.memory_space<hbm>> -> memref<158x64xi32, #tpu.memory_space<hbm>>
      tpu.wait_dma2 semaphore(%run_scoped3A : memref<!tpu.dma_semaphore, #tpu.memory_space<semaphore_mem>>) src(%dma_wait3A_57 : memref<158x64xi32, #tpu.memory_space<hbm>>) dst(%arg9 : memref<158x64xi32, #tpu.memory_space<vmem>>)
      tpu.yield
    }) : () -> ()
    %barrier3A = arith.constant 0 : index
    tpu.barrier barrier_id(%barrier3A)
    %dma_start3A = arith.constant 0 : i32
    %dma_start3A_13 = arith.constant 0 : i32
    %dma_start3A_14 = tpu.memref_slice %arg8[%dma_start3A, %dma_start3A_13] : memref<158x64xi32, #tpu.memory_space<vmem>> -> memref<1x64xi32, #tpu.memory_space<vmem>>
    %dma_start3A_15 = tpu.memref_squeeze %dma_start3A_14 : memref<1x64xi32, #tpu.memory_space<vmem>> -> memref<64xi32, #tpu.memory_space<vmem>>
    %dma_start3A_16 = arith.constant 0 : i32
    %dma_start3A_17 = arith.constant 0 : i32
    %dma_start3A_18 = tpu.memref_slice %arg2[%dma_start3A_16, %dma_start3A_17] : memref<10016x144xf32, #tpu.memory_space<hbm>> -> memref<10016x144xf32, #tpu.memory_space<hbm>>
    tpu.enqueue_indirect_dma source(%dma_start3A_18 : memref<10016x144xf32, #tpu.memory_space<hbm>>) target(%arg10 : memref<64x144xf32, #tpu.memory_space<vmem>>) offsets(%dma_start3A_15 : memref<64xi32, #tpu.memory_space<vmem>>) semaphore(%arg12 : memref<!tpu.dma_semaphore, #tpu.memory_space<semaphore_mem>>)
    %jit3A_19 = arith.constant 2 : i32
    %div3A = arith.divsi %select_n3A, %jit3A_19 : i32
    %sign3A = arith.constant 0 : i32
    %sign3A_20 = arith.cmpi sgt, %select_n3A, %sign3A : i32
    %sign3A_21 = arith.extui %sign3A_20 : i1 to i32
    %sign3A_22 = arith.constant 0 : i32
    %sign3A_23 = arith.cmpi slt, %select_n3A, %sign3A_22 : i32
    %sign3A_24 = arith.extui %sign3A_23 : i1 to i32
    %sign3A_25 = arith.subi %sign3A_21, %sign3A_24 : i32
    %sign3A_26 = arith.constant 0 : i32
    %sign3A_27 = arith.cmpi sgt, %jit3A_19, %sign3A_26 : i32
    %sign3A_28 = arith.extui %sign3A_27 : i1 to i32
    %sign3A_29 = arith.constant 0 : i32
    %sign3A_30 = arith.cmpi slt, %jit3A_19, %sign3A_29 : i32
    %sign3A_31 = arith.extui %sign3A_30 : i1 to i32
    %sign3A_32 = arith.subi %sign3A_28, %sign3A_31 : i32
    %ne3A = arith.cmpi ne, %sign3A_25, %sign3A_32 : i32
    %rem3A = arith.remsi %select_n3A, %jit3A_19 : i32
    %ne3A_33 = arith.constant 0 : i32
    %ne3A_34 = arith.cmpi ne, %rem3A, %ne3A_33 : i32
    %and3A = arith.andi %ne3A, %ne3A_34 : i1
    %sub3A = arith.constant 1 : i32
    %sub3A_35 = arith.subi %div3A, %sub3A : i32
    %select_n3A_36 = arith.select %and3A, %sub3A_35, %div3A : i32
    %while3A = arith.constant 0 : i32
    %while3A_37 = arith.constant 0 : i32
    %while3A_38 = arith.subi %select_n3A_36, %while3A_37 : i32
    %while3A_39 = arith.addi %while3A_37, %while3A_38 : i32
    %while3A_40 = arith.constant 1 : i32
    %while3A_41 = arith.divsi %while3A_38, %while3A_40 : i32
    %while3A_42 = arith.muli %while3A_41, %while3A_40 : i32
    %while3A_43 = arith.addi %while3A_37, %while3A_42 : i32
    %while3A_44 = arith.constant 1 : i32
    scf.for %while3A_51 = %while3A_37 to %while3A_43 step %while3A_44  : i32 {
      %mul3A_52 = arith.constant 2 : i32
      %mul3A_53 = arith.muli %while3A_51, %mul3A_52 : i32
      %add3A_54 = arith.constant 1 : i32
      %add3A_55 = arith.addi %mul3A_53, %add3A_54 : i32
      %dma_start3A_56 = arith.constant 0 : i32
      %dma_start3A_57 = tpu.memref_slice %arg8[%add3A_55, %dma_start3A_56] : memref<158x64xi32, #tpu.memory_space<vmem>> -> memref<1x64xi32, #tpu.memory_space<vmem>>
      %dma_start3A_58 = tpu.memref_squeeze %dma_start3A_57 : memref<1x64xi32, #tpu.memory_space<vmem>> -> memref<64xi32, #tpu.memory_space<vmem>>
      %dma_start3A_59 = arith.constant 0 : i32
      %dma_start3A_60 = arith.constant 0 : i32
      %dma_start3A_61 = tpu.memref_slice %arg2[%dma_start3A_59, %dma_start3A_60] : memref<10016x144xf32, #tpu.memory_space<hbm>> -> memref<10016x144xf32, #tpu.memory_space<hbm>>
      tpu.enqueue_indirect_dma source(%dma_start3A_61 : memref<10016x144xf32, #tpu.memory_space<hbm>>) target(%arg11 : memref<64x144xf32, #tpu.memory_space<vmem>>) offsets(%dma_start3A_58 : memref<64xi32, #tpu.memory_space<vmem>>) semaphore(%arg13 : memref<!tpu.dma_semaphore, #tpu.memory_space<semaphore_mem>>)
      %dma_wait3A = arith.constant 0 : i32
      %dma_wait3A_62 = tpu.memref_slice %arg8[%mul3A_53, %dma_wait3A] : memref<158x64xi32, #tpu.memory_space<vmem>> -> memref<1x64xi32, #tpu.memory_space<vmem>>
      %dma_wait3A_63 = tpu.memref_squeeze %dma_wait3A_62 : memref<1x64xi32, #tpu.memory_space<vmem>> -> memref<64xi32, #tpu.memory_space<vmem>>
      %dma_wait3A_64 = arith.constant 0 : i32
      %dma_wait3A_65 = arith.constant 0 : i32
      %dma_wait3A_66 = tpu.memref_slice %arg2[%dma_wait3A_64, %dma_wait3A_65] : memref<10016x144xf32, #tpu.memory_space<hbm>> -> memref<10016x144xf32, #tpu.memory_space<hbm>>
      tpu.wait_indirect_dma semaphore(%arg12 : memref<!tpu.dma_semaphore, #tpu.memory_space<semaphore_mem>>) src(%dma_wait3A_66 : memref<10016x144xf32, #tpu.memory_space<hbm>>) dst(%arg10 : memref<64x144xf32, #tpu.memory_space<vmem>>)
      "tpu.region"() ({
        %run_scoped3A = tpu.sem_alloc : memref<!tpu.dma_semaphore, #tpu.memory_space<semaphore_mem>>
        %dma_start3A_104 = arith.constant 0 : i32
        %dma_start3A_105 = tpu.memref_slice %arg9[%mul3A_53, %dma_start3A_104] : memref<158x64xi32, #tpu.memory_space<vmem>> -> memref<1x64xi32, #tpu.memory_space<vmem>>
        %dma_start3A_106 = tpu.memref_squeeze %dma_start3A_105 : memref<1x64xi32, #tpu.memory_space<vmem>> -> memref<64xi32, #tpu.memory_space<vmem>>
        %dma_start3A_107 = arith.constant 0 : i32
        %dma_start3A_108 = arith.constant 0 : i32
        %dma_start3A_109 = tpu.memref_slice %arg7[%dma_start3A_107, %dma_start3A_108] : memref<10016x144xf32, #tpu.memory_space<vmem_shared>> -> memref<10016x144xf32, #tpu.memory_space<vmem_shared>>
        tpu.enqueue_indirect_dma source(%arg10 : memref<64x144xf32, #tpu.memory_space<vmem>>) target(%dma_start3A_109 : memref<10016x144xf32, #tpu.memory_space<vmem_shared>>) offsets(%dma_start3A_106 : memref<64xi32, #tpu.memory_space<vmem>>) semaphore(%run_scoped3A : memref<!tpu.dma_semaphore, #tpu.memory_space<semaphore_mem>>) {add = true}
        %dma_wait3A_110 = arith.constant 0 : i32
        %dma_wait3A_111 = tpu.memref_slice %arg9[%mul3A_53, %dma_wait3A_110] : memref<158x64xi32, #tpu.memory_space<vmem>> -> memref<1x64xi32, #tpu.memory_space<vmem>>
        %dma_wait3A_112 = tpu.memref_squeeze %dma_wait3A_111 : memref<1x64xi32, #tpu.memory_space<vmem>> -> memref<64xi32, #tpu.memory_space<vmem>>
        %dma_wait3A_113 = arith.constant 0 : i32
        %dma_wait3A_114 = arith.constant 0 : i32
        %dma_wait3A_115 = tpu.memref_slice %arg7[%dma_wait3A_113, %dma_wait3A_114] : memref<10016x144xf32, #tpu.memory_space<vmem_shared>> -> memref<10016x144xf32, #tpu.memory_space<vmem_shared>>
        tpu.wait_indirect_dma semaphore(%run_scoped3A : memref<!tpu.dma_semaphore, #tpu.memory_space<semaphore_mem>>) src(%arg10 : memref<64x144xf32, #tpu.memory_space<vmem>>) dst(%dma_wait3A_115 : memref<10016x144xf32, #tpu.memory_space<vmem_shared>>)
        tpu.yield
      }) : () -> ()
      %jit3A_67 = arith.constant 2 : i32
      %div3A_68 = arith.divsi %select_n3A, %jit3A_67 : i32
      %sign3A_69 = arith.constant 0 : i32
      %sign3A_70 = arith.cmpi sgt, %select_n3A, %sign3A_69 : i32
      %sign3A_71 = arith.extui %sign3A_70 : i1 to i32
      %sign3A_72 = arith.constant 0 : i32
      %sign3A_73 = arith.cmpi slt, %select_n3A, %sign3A_72 : i32
      %sign3A_74 = arith.extui %sign3A_73 : i1 to i32
      %sign3A_75 = arith.subi %sign3A_71, %sign3A_74 : i32
      %sign3A_76 = arith.constant 0 : i32
      %sign3A_77 = arith.cmpi sgt, %jit3A_67, %sign3A_76 : i32
      %sign3A_78 = arith.extui %sign3A_77 : i1 to i32
      %sign3A_79 = arith.constant 0 : i32
      %sign3A_80 = arith.cmpi slt, %jit3A_67, %sign3A_79 : i32
      %sign3A_81 = arith.extui %sign3A_80 : i1 to i32
      %sign3A_82 = arith.subi %sign3A_78, %sign3A_81 : i32
      %ne3A_83 = arith.cmpi ne, %sign3A_75, %sign3A_82 : i32
      %rem3A_84 = arith.remsi %select_n3A, %jit3A_67 : i32
      %ne3A_85 = arith.constant 0 : i32
      %ne3A_86 = arith.cmpi ne, %rem3A_84, %ne3A_85 : i32
      %and3A_87 = arith.andi %ne3A_83, %ne3A_86 : i1
      %sub3A_88 = arith.constant 1 : i32
      %sub3A_89 = arith.subi %div3A_68, %sub3A_88 : i32
      %select_n3A_90 = arith.select %and3A_87, %sub3A_89, %div3A_68 : i32
      %sub3A_91 = arith.constant 1 : i32
      %sub3A_92 = arith.subi %select_n3A_90, %sub3A_91 : i32
      %lt3A = arith.cmpi slt, %while3A_51, %sub3A_92 : i32
      %convert_element_type3A = arith.extui %lt3A : i1 to i32
      %cond3A = arith.constant 0 : i32
      %cond3A_93 = arith.cmpi ne, %convert_element_type3A, %cond3A : i32
      scf.if %cond3A_93 {
        %add3A_104 = arith.constant 2 : i32
        %add3A_105 = arith.addi %mul3A_53, %add3A_104 : i32
        %dma_start3A_106 = arith.constant 0 : i32
        %dma_start3A_107 = tpu.memref_slice %arg8[%add3A_105, %dma_start3A_106] : memref<158x64xi32, #tpu.memory_space<vmem>> -> memref<1x64xi32, #tpu.memory_space<vmem>>
        %dma_start3A_108 = tpu.memref_squeeze %dma_start3A_107 : memref<1x64xi32, #tpu.memory_space<vmem>> -> memref<64xi32, #tpu.memory_space<vmem>>
        %dma_start3A_109 = arith.constant 0 : i32
        %dma_start3A_110 = arith.constant 0 : i32
        %dma_start3A_111 = tpu.memref_slice %arg2[%dma_start3A_109, %dma_start3A_110] : memref<10016x144xf32, #tpu.memory_space<hbm>> -> memref<10016x144xf32, #tpu.memory_space<hbm>>
        tpu.enqueue_indirect_dma source(%dma_start3A_111 : memref<10016x144xf32, #tpu.memory_space<hbm>>) target(%arg10 : memref<64x144xf32, #tpu.memory_space<vmem>>) offsets(%dma_start3A_108 : memref<64xi32, #tpu.memory_space<vmem>>) semaphore(%arg12 : memref<!tpu.dma_semaphore, #tpu.memory_space<semaphore_mem>>)
      } else {
      }
      %add3A_94 = arith.constant 1 : i32
      %add3A_95 = arith.addi %mul3A_53, %add3A_94 : i32
      %dma_wait3A_96 = arith.constant 0 : i32
      %dma_wait3A_97 = tpu.memref_slice %arg8[%add3A_95, %dma_wait3A_96] : memref<158x64xi32, #tpu.memory_space<vmem>> -> memref<1x64xi32, #tpu.memory_space<vmem>>
      %dma_wait3A_98 = tpu.memref_squeeze %dma_wait3A_97 : memref<1x64xi32, #tpu.memory_space<vmem>> -> memref<64xi32, #tpu.memory_space<vmem>>
      %dma_wait3A_99 = arith.constant 0 : i32
      %dma_wait3A_100 = arith.constant 0 : i32
      %dma_wait3A_101 = tpu.memref_slice %arg2[%dma_wait3A_99, %dma_wait3A_100] : memref<10016x144xf32, #tpu.memory_space<hbm>> -> memref<10016x144xf32, #tpu.memory_space<hbm>>
      tpu.wait_indirect_dma semaphore(%arg13 : memref<!tpu.dma_semaphore, #tpu.memory_space<semaphore_mem>>) src(%dma_wait3A_101 : memref<10016x144xf32, #tpu.memory_space<hbm>>) dst(%arg11 : memref<64x144xf32, #tpu.memory_space<vmem>>)
      %add3A_102 = arith.constant 1 : i32
      %add3A_103 = arith.addi %mul3A_53, %add3A_102 : i32
      "tpu.region"() ({
        %run_scoped3A = tpu.sem_alloc : memref<!tpu.dma_semaphore, #tpu.memory_space<semaphore_mem>>
        %dma_start3A_104 = arith.constant 0 : i32
        %dma_start3A_105 = tpu.memref_slice %arg9[%add3A_103, %dma_start3A_104] : memref<158x64xi32, #tpu.memory_space<vmem>> -> memref<1x64xi32, #tpu.memory_space<vmem>>
        %dma_start3A_106 = tpu.memref_squeeze %dma_start3A_105 : memref<1x64xi32, #tpu.memory_space<vmem>> -> memref<64xi32, #tpu.memory_space<vmem>>
        %dma_start3A_107 = arith.constant 0 : i32
        %dma_start3A_108 = arith.constant 0 : i32
        %dma_start3A_109 = tpu.memref_slice %arg7[%dma_start3A_107, %dma_start3A_108] : memref<10016x144xf32, #tpu.memory_space<vmem_shared>> -> memref<10016x144xf32, #tpu.memory_space<vmem_shared>>
        tpu.enqueue_indirect_dma source(%arg11 : memref<64x144xf32, #tpu.memory_space<vmem>>) target(%dma_start3A_109 : memref<10016x144xf32, #tpu.memory_space<vmem_shared>>) offsets(%dma_start3A_106 : memref<64xi32, #tpu.memory_space<vmem>>) semaphore(%run_scoped3A : memref<!tpu.dma_semaphore, #tpu.memory_space<semaphore_mem>>) {add = true}
        %dma_wait3A_110 = arith.constant 0 : i32
        %dma_wait3A_111 = tpu.memref_slice %arg9[%add3A_103, %dma_wait3A_110] : memref<158x64xi32, #tpu.memory_space<vmem>> -> memref<1x64xi32, #tpu.memory_space<vmem>>
        %dma_wait3A_112 = tpu.memref_squeeze %dma_wait3A_111 : memref<1x64xi32, #tpu.memory_space<vmem>> -> memref<64xi32, #tpu.memory_space<vmem>>
        %dma_wait3A_113 = arith.constant 0 : i32
        %dma_wait3A_114 = arith.constant 0 : i32
        %dma_wait3A_115 = tpu.memref_slice %arg7[%dma_wait3A_113, %dma_wait3A_114] : memref<10016x144xf32, #tpu.memory_space<vmem_shared>> -> memref<10016x144xf32, #tpu.memory_space<vmem_shared>>
        tpu.wait_indirect_dma semaphore(%run_scoped3A : memref<!tpu.dma_semaphore, #tpu.memory_space<semaphore_mem>>) src(%arg11 : memref<64x144xf32, #tpu.memory_space<vmem>>) dst(%dma_wait3A_115 : memref<10016x144xf32, #tpu.memory_space<vmem_shared>>)
        tpu.yield
      }) : () -> ()
    }
    %while3A_45 = arith.constant 1 : i32
    scf.for %while3A_51 = %while3A_43 to %while3A_39 step %while3A_45  : i32 {
      %mul3A_52 = arith.constant 2 : i32
      %mul3A_53 = arith.muli %while3A_51, %mul3A_52 : i32
      %add3A_54 = arith.constant 1 : i32
      %add3A_55 = arith.addi %mul3A_53, %add3A_54 : i32
      %dma_start3A_56 = arith.constant 0 : i32
      %dma_start3A_57 = tpu.memref_slice %arg8[%add3A_55, %dma_start3A_56] : memref<158x64xi32, #tpu.memory_space<vmem>> -> memref<1x64xi32, #tpu.memory_space<vmem>>
      %dma_start3A_58 = tpu.memref_squeeze %dma_start3A_57 : memref<1x64xi32, #tpu.memory_space<vmem>> -> memref<64xi32, #tpu.memory_space<vmem>>
      %dma_start3A_59 = arith.constant 0 : i32
      %dma_start3A_60 = arith.constant 0 : i32
      %dma_start3A_61 = tpu.memref_slice %arg2[%dma_start3A_59, %dma_start3A_60] : memref<10016x144xf32, #tpu.memory_space<hbm>> -> memref<10016x144xf32, #tpu.memory_space<hbm>>
      tpu.enqueue_indirect_dma source(%dma_start3A_61 : memref<10016x144xf32, #tpu.memory_space<hbm>>) target(%arg11 : memref<64x144xf32, #tpu.memory_space<vmem>>) offsets(%dma_start3A_58 : memref<64xi32, #tpu.memory_space<vmem>>) semaphore(%arg13 : memref<!tpu.dma_semaphore, #tpu.memory_space<semaphore_mem>>)
      %dma_wait3A = arith.constant 0 : i32
      %dma_wait3A_62 = tpu.memref_slice %arg8[%mul3A_53, %dma_wait3A] : memref<158x64xi32, #tpu.memory_space<vmem>> -> memref<1x64xi32, #tpu.memory_space<vmem>>
      %dma_wait3A_63 = tpu.memref_squeeze %dma_wait3A_62 : memref<1x64xi32, #tpu.memory_space<vmem>> -> memref<64xi32, #tpu.memory_space<vmem>>
      %dma_wait3A_64 = arith.constant 0 : i32
      %dma_wait3A_65 = arith.constant 0 : i32
      %dma_wait3A_66 = tpu.memref_slice %arg2[%dma_wait3A_64, %dma_wait3A_65] : memref<10016x144xf32, #tpu.memory_space<hbm>> -> memref<10016x144xf32, #tpu.memory_space<hbm>>
      tpu.wait_indirect_dma semaphore(%arg12 : memref<!tpu.dma_semaphore, #tpu.memory_space<semaphore_mem>>) src(%dma_wait3A_66 : memref<10016x144xf32, #tpu.memory_space<hbm>>) dst(%arg10 : memref<64x144xf32, #tpu.memory_space<vmem>>)
      "tpu.region"() ({
        %run_scoped3A = tpu.sem_alloc : memref<!tpu.dma_semaphore, #tpu.memory_space<semaphore_mem>>
        %dma_start3A_104 = arith.constant 0 : i32
        %dma_start3A_105 = tpu.memref_slice %arg9[%mul3A_53, %dma_start3A_104] : memref<158x64xi32, #tpu.memory_space<vmem>> -> memref<1x64xi32, #tpu.memory_space<vmem>>
        %dma_start3A_106 = tpu.memref_squeeze %dma_start3A_105 : memref<1x64xi32, #tpu.memory_space<vmem>> -> memref<64xi32, #tpu.memory_space<vmem>>
        %dma_start3A_107 = arith.constant 0 : i32
        %dma_start3A_108 = arith.constant 0 : i32
        %dma_start3A_109 = tpu.memref_slice %arg7[%dma_start3A_107, %dma_start3A_108] : memref<10016x144xf32, #tpu.memory_space<vmem_shared>> -> memref<10016x144xf32, #tpu.memory_space<vmem_shared>>
        tpu.enqueue_indirect_dma source(%arg10 : memref<64x144xf32, #tpu.memory_space<vmem>>) target(%dma_start3A_109 : memref<10016x144xf32, #tpu.memory_space<vmem_shared>>) offsets(%dma_start3A_106 : memref<64xi32, #tpu.memory_space<vmem>>) semaphore(%run_scoped3A : memref<!tpu.dma_semaphore, #tpu.memory_space<semaphore_mem>>) {add = true}
        %dma_wait3A_110 = arith.constant 0 : i32
        %dma_wait3A_111 = tpu.memref_slice %arg9[%mul3A_53, %dma_wait3A_110] : memref<158x64xi32, #tpu.memory_space<vmem>> -> memref<1x64xi32, #tpu.memory_space<vmem>>
        %dma_wait3A_112 = tpu.memref_squeeze %dma_wait3A_111 : memref<1x64xi32, #tpu.memory_space<vmem>> -> memref<64xi32, #tpu.memory_space<vmem>>
        %dma_wait3A_113 = arith.constant 0 : i32
        %dma_wait3A_114 = arith.constant 0 : i32
        %dma_wait3A_115 = tpu.memref_slice %arg7[%dma_wait3A_113, %dma_wait3A_114] : memref<10016x144xf32, #tpu.memory_space<vmem_shared>> -> memref<10016x144xf32, #tpu.memory_space<vmem_shared>>
        tpu.wait_indirect_dma semaphore(%run_scoped3A : memref<!tpu.dma_semaphore, #tpu.memory_space<semaphore_mem>>) src(%arg10 : memref<64x144xf32, #tpu.memory_space<vmem>>) dst(%dma_wait3A_115 : memref<10016x144xf32, #tpu.memory_space<vmem_shared>>)
        tpu.yield
      }) : () -> ()
      %jit3A_67 = arith.constant 2 : i32
      %div3A_68 = arith.divsi %select_n3A, %jit3A_67 : i32
      %sign3A_69 = arith.constant 0 : i32
      %sign3A_70 = arith.cmpi sgt, %select_n3A, %sign3A_69 : i32
      %sign3A_71 = arith.extui %sign3A_70 : i1 to i32
      %sign3A_72 = arith.constant 0 : i32
      %sign3A_73 = arith.cmpi slt, %select_n3A, %sign3A_72 : i32
      %sign3A_74 = arith.extui %sign3A_73 : i1 to i32
      %sign3A_75 = arith.subi %sign3A_71, %sign3A_74 : i32
      %sign3A_76 = arith.constant 0 : i32
      %sign3A_77 = arith.cmpi sgt, %jit3A_67, %sign3A_76 : i32
      %sign3A_78 = arith.extui %sign3A_77 : i1 to i32
      %sign3A_79 = arith.constant 0 : i32
      %sign3A_80 = arith.cmpi slt, %jit3A_67, %sign3A_79 : i32
      %sign3A_81 = arith.extui %sign3A_80 : i1 to i32
      %sign3A_82 = arith.subi %sign3A_78, %sign3A_81 : i32
      %ne3A_83 = arith.cmpi ne, %sign3A_75, %sign3A_82 : i32
      %rem3A_84 = arith.remsi %select_n3A, %jit3A_67 : i32
      %ne3A_85 = arith.constant 0 : i32
      %ne3A_86 = arith.cmpi ne, %rem3A_84, %ne3A_85 : i32
      %and3A_87 = arith.andi %ne3A_83, %ne3A_86 : i1
      %sub3A_88 = arith.constant 1 : i32
      %sub3A_89 = arith.subi %div3A_68, %sub3A_88 : i32
      %select_n3A_90 = arith.select %and3A_87, %sub3A_89, %div3A_68 : i32
      %sub3A_91 = arith.constant 1 : i32
      %sub3A_92 = arith.subi %select_n3A_90, %sub3A_91 : i32
      %lt3A = arith.cmpi slt, %while3A_51, %sub3A_92 : i32
      %convert_element_type3A = arith.extui %lt3A : i1 to i32
      %cond3A = arith.constant 0 : i32
      %cond3A_93 = arith.cmpi ne, %convert_element_type3A, %cond3A : i32
      scf.if %cond3A_93 {
        %add3A_104 = arith.constant 2 : i32
        %add3A_105 = arith.addi %mul3A_53, %add3A_104 : i32
        %dma_start3A_106 = arith.constant 0 : i32
        %dma_start3A_107 = tpu.memref_slice %arg8[%add3A_105, %dma_start3A_106] : memref<158x64xi32, #tpu.memory_space<vmem>> -> memref<1x64xi32, #tpu.memory_space<vmem>>
        %dma_start3A_108 = tpu.memref_squeeze %dma_start3A_107 : memref<1x64xi32, #tpu.memory_space<vmem>> -> memref<64xi32, #tpu.memory_space<vmem>>
        %dma_start3A_109 = arith.constant 0 : i32
        %dma_start3A_110 = arith.constant 0 : i32
        %dma_start3A_111 = tpu.memref_slice %arg2[%dma_start3A_109, %dma_start3A_110] : memref<10016x144xf32, #tpu.memory_space<hbm>> -> memref<10016x144xf32, #tpu.memory_space<hbm>>
        tpu.enqueue_indirect_dma source(%dma_start3A_111 : memref<10016x144xf32, #tpu.memory_space<hbm>>) target(%arg10 : memref<64x144xf32, #tpu.memory_space<vmem>>) offsets(%dma_start3A_108 : memref<64xi32, #tpu.memory_space<vmem>>) semaphore(%arg12 : memref<!tpu.dma_semaphore, #tpu.memory_space<semaphore_mem>>)
      } else {
      }
      %add3A_94 = arith.constant 1 : i32
      %add3A_95 = arith.addi %mul3A_53, %add3A_94 : i32
      %dma_wait3A_96 = arith.constant 0 : i32
      %dma_wait3A_97 = tpu.memref_slice %arg8[%add3A_95, %dma_wait3A_96] : memref<158x64xi32, #tpu.memory_space<vmem>> -> memref<1x64xi32, #tpu.memory_space<vmem>>
      %dma_wait3A_98 = tpu.memref_squeeze %dma_wait3A_97 : memref<1x64xi32, #tpu.memory_space<vmem>> -> memref<64xi32, #tpu.memory_space<vmem>>
      %dma_wait3A_99 = arith.constant 0 : i32
      %dma_wait3A_100 = arith.constant 0 : i32
      %dma_wait3A_101 = tpu.memref_slice %arg2[%dma_wait3A_99, %dma_wait3A_100] : memref<10016x144xf32, #tpu.memory_space<hbm>> -> memref<10016x144xf32, #tpu.memory_space<hbm>>
      tpu.wait_indirect_dma semaphore(%arg13 : memref<!tpu.dma_semaphore, #tpu.memory_space<semaphore_mem>>) src(%dma_wait3A_101 : memref<10016x144xf32, #tpu.memory_space<hbm>>) dst(%arg11 : memref<64x144xf32, #tpu.memory_space<vmem>>)
      %add3A_102 = arith.constant 1 : i32
      %add3A_103 = arith.addi %mul3A_53, %add3A_102 : i32
      "tpu.region"() ({
        %run_scoped3A = tpu.sem_alloc : memref<!tpu.dma_semaphore, #tpu.memory_space<semaphore_mem>>
        %dma_start3A_104 = arith.constant 0 : i32
        %dma_start3A_105 = tpu.memref_slice %arg9[%add3A_103, %dma_start3A_104] : memref<158x64xi32, #tpu.memory_space<vmem>> -> memref<1x64xi32, #tpu.memory_space<vmem>>
        %dma_start3A_106 = tpu.memref_squeeze %dma_start3A_105 : memref<1x64xi32, #tpu.memory_space<vmem>> -> memref<64xi32, #tpu.memory_space<vmem>>
        %dma_start3A_107 = arith.constant 0 : i32
        %dma_start3A_108 = arith.constant 0 : i32
        %dma_start3A_109 = tpu.memref_slice %arg7[%dma_start3A_107, %dma_start3A_108] : memref<10016x144xf32, #tpu.memory_space<vmem_shared>> -> memref<10016x144xf32, #tpu.memory_space<vmem_shared>>
        tpu.enqueue_indirect_dma source(%arg11 : memref<64x144xf32, #tpu.memory_space<vmem>>) target(%dma_start3A_109 : memref<10016x144xf32, #tpu.memory_space<vmem_shared>>) offsets(%dma_start3A_106 : memref<64xi32, #tpu.memory_space<vmem>>) semaphore(%run_scoped3A : memref<!tpu.dma_semaphore, #tpu.memory_space<semaphore_mem>>) {add = true}
        %dma_wait3A_110 = arith.constant 0 : i32
        %dma_wait3A_111 = tpu.memref_slice %arg9[%add3A_103, %dma_wait3A_110] : memref<158x64xi32, #tpu.memory_space<vmem>> -> memref<1x64xi32, #tpu.memory_space<vmem>>
        %dma_wait3A_112 = tpu.memref_squeeze %dma_wait3A_111 : memref<1x64xi32, #tpu.memory_space<vmem>> -> memref<64xi32, #tpu.memory_space<vmem>>
        %dma_wait3A_113 = arith.constant 0 : i32
        %dma_wait3A_114 = arith.constant 0 : i32
        %dma_wait3A_115 = tpu.memref_slice %arg7[%dma_wait3A_113, %dma_wait3A_114] : memref<10016x144xf32, #tpu.memory_space<vmem_shared>> -> memref<10016x144xf32, #tpu.memory_space<vmem_shared>>
        tpu.wait_indirect_dma semaphore(%run_scoped3A : memref<!tpu.dma_semaphore, #tpu.memory_space<semaphore_mem>>) src(%arg11 : memref<64x144xf32, #tpu.memory_space<vmem>>) dst(%dma_wait3A_115 : memref<10016x144xf32, #tpu.memory_space<vmem_shared>>)
        tpu.yield
      }) : () -> ()
    }
    %barrier3A_46 = arith.constant 0 : index
    tpu.barrier barrier_id(%barrier3A_46)
    %mul3A_47 = arith.constant 626 : i32
    %mul3A_48 = arith.muli %arg1, %mul3A_47 : i32
    %mul3A_49 = arith.constant 626 : i32
    %mul3A_50 = arith.muli %arg1, %mul3A_49 : i32
    "tpu.region"() ({
      %run_scoped3A = tpu.sem_alloc : memref<!tpu.dma_semaphore, #tpu.memory_space<semaphore_mem>>
      %dma_start3A_51 = arith.constant 0 : i32
      %dma_start3A_52 = arith.constant 0 : i32
      %dma_start3A_53 = tpu.memref_slice %arg6[%arg0, %dma_start3A_51, %dma_start3A_52] : memref<2x10016x144xf32, #tpu.memory_space<hbm>> -> memref<1x10016x144xf32, #tpu.memory_space<hbm>>
      %dma_start3A_54 = tpu.memref_squeeze %dma_start3A_53 : memref<1x10016x144xf32, #tpu.memory_space<hbm>> -> memref<10016x144xf32, #tpu.memory_space<hbm>>
      %dma_start3A_55 = arith.constant 0 : i32
      %dma_start3A_56 = tpu.memref_slice %dma_start3A_54[%mul3A_50, %dma_start3A_55] : memref<10016x144xf32, #tpu.memory_space<hbm>> -> memref<626x144xf32, #tpu.memory_space<hbm>>
      %dma_start3A_57 = arith.constant 0 : i32
      %dma_start3A_58 = tpu.memref_slice %arg7[%mul3A_48, %dma_start3A_57] : memref<10016x144xf32, #tpu.memory_space<vmem_shared>> -> memref<626x144xf32, #tpu.memory_space<vmem_shared>>
      tpu.enqueue_dma source(%dma_start3A_58 : memref<626x144xf32, #tpu.memory_space<vmem_shared>>) target(%dma_start3A_56 : memref<626x144xf32, #tpu.memory_space<hbm>>) target_semaphore(%run_scoped3A : memref<!tpu.dma_semaphore, #tpu.memory_space<semaphore_mem>>)
      %dma_wait3A = arith.constant 0 : i32
      %dma_wait3A_59 = arith.constant 0 : i32
      %dma_wait3A_60 = tpu.memref_slice %arg6[%arg0, %dma_wait3A, %dma_wait3A_59] : memref<2x10016x144xf32, #tpu.memory_space<hbm>> -> memref<1x10016x144xf32, #tpu.memory_space<hbm>>
      %dma_wait3A_61 = tpu.memref_squeeze %dma_wait3A_60 : memref<1x10016x144xf32, #tpu.memory_space<hbm>> -> memref<10016x144xf32, #tpu.memory_space<hbm>>
      %dma_wait3A_62 = arith.constant 0 : i32
      %dma_wait3A_63 = tpu.memref_slice %dma_wait3A_61[%mul3A_50, %dma_wait3A_62] : memref<10016x144xf32, #tpu.memory_space<hbm>> -> memref<626x144xf32, #tpu.memory_space<hbm>>
      %dma_wait3A_64 = arith.constant 0 : i32
      %dma_wait3A_65 = tpu.memref_slice %arg7[%mul3A_48, %dma_wait3A_64] : memref<10016x144xf32, #tpu.memory_space<vmem_shared>> -> memref<626x144xf32, #tpu.memory_space<vmem_shared>>
      tpu.wait_dma2 semaphore(%run_scoped3A : memref<!tpu.dma_semaphore, #tpu.memory_space<semaphore_mem>>) src(%dma_wait3A_65 : memref<626x144xf32, #tpu.memory_space<vmem_shared>>) dst(%dma_wait3A_63 : memref<626x144xf32, #tpu.memory_space<hbm>>)
      tpu.yield
    }) : () -> ()
    return
  }
}

#map = affine_map<(d0, d1) -> (0, 0)>
#map1 = affine_map<(d0, d1) -> (0, 0, 0)>
module attributes {stable_mosaic.version = 14 : i64} {
  func.func @spmm(%arg0: i32, %arg1: i32, %arg2: memref<10016x128xf32, #tpu.memory_space<hbm>>, %arg3: memref<4144x80xi32, #tpu.memory_space<hbm>>, %arg4: memref<4144x80xi32, #tpu.memory_space<hbm>>, %arg5: memref<10016x128xf32, #tpu.memory_space<hbm>>, %arg6: memref<2x10016x128xf32, #tpu.memory_space<hbm>>, %arg7: memref<10016x128xf32, #tpu.memory_space<vmem_shared>>, %arg8: memref<182x80xi32, #tpu.memory_space<vmem>>, %arg9: memref<182x80xi32, #tpu.memory_space<vmem>>, %arg10: memref<80x128xf32, #tpu.memory_space<vmem>>, %arg11: memref<80x128xf32, #tpu.memory_space<vmem>>, %arg12: memref<!tpu.dma_semaphore, #tpu.memory_space<semaphore_mem>>, %arg13: memref<!tpu.dma_semaphore, #tpu.memory_space<semaphore_mem>>) attributes {dimension_semantics = [#tpu.dimension_semantics<core_parallel>, #tpu.dimension_semantics<subcore_parallel>], iteration_bounds = array<i64: 2, 16>, scalar_prefetch = 0 : i64, scratch_operands = 7 : i64, tpu.core_type = #tpu.core_type<sc_vector_subcore>, window_params = [{transform_indices = #map}, {transform_indices = #map}, {transform_indices = #map}, {transform_indices = #map}, {transform_indices = #map1}]} {
    %mul3A = arith.constant 626 : i32
    %mul3A_0 = arith.muli %arg1, %mul3A : i32
    %mul3A_1 = arith.constant 626 : i32
    %mul3A_2 = arith.muli %arg1, %mul3A_1 : i32
    "tpu.region"() ({
      %run_scoped3A = tpu.sem_alloc : memref<!tpu.dma_semaphore, #tpu.memory_space<semaphore_mem>>
      %dma_start3A_51 = arith.constant 0 : i32
      %dma_start3A_52 = tpu.memref_slice %arg7[%mul3A_2, %dma_start3A_51] : memref<10016x128xf32, #tpu.memory_space<vmem_shared>> -> memref<626x128xf32, #tpu.memory_space<vmem_shared>>
      %dma_start3A_53 = arith.constant 0 : i32
      %dma_start3A_54 = tpu.memref_slice %arg5[%mul3A_0, %dma_start3A_53] : memref<10016x128xf32, #tpu.memory_space<hbm>> -> memref<626x128xf32, #tpu.memory_space<hbm>>
      tpu.enqueue_dma source(%dma_start3A_54 : memref<626x128xf32, #tpu.memory_space<hbm>>) target(%dma_start3A_52 : memref<626x128xf32, #tpu.memory_space<vmem_shared>>) target_semaphore(%run_scoped3A : memref<!tpu.dma_semaphore, #tpu.memory_space<semaphore_mem>>)
      %dma_wait3A = arith.constant 0 : i32
      %dma_wait3A_55 = tpu.memref_slice %arg7[%mul3A_2, %dma_wait3A] : memref<10016x128xf32, #tpu.memory_space<vmem_shared>> -> memref<626x128xf32, #tpu.memory_space<vmem_shared>>
      %dma_wait3A_56 = arith.constant 0 : i32
      %dma_wait3A_57 = tpu.memref_slice %arg5[%mul3A_0, %dma_wait3A_56] : memref<10016x128xf32, #tpu.memory_space<hbm>> -> memref<626x128xf32, #tpu.memory_space<hbm>>
      tpu.wait_dma2 semaphore(%run_scoped3A : memref<!tpu.dma_semaphore, #tpu.memory_space<semaphore_mem>>) src(%dma_wait3A_57 : memref<626x128xf32, #tpu.memory_space<hbm>>) dst(%dma_wait3A_55 : memref<626x128xf32, #tpu.memory_space<vmem_shared>>)
      tpu.yield
    }) : () -> ()
    %eq3A = arith.constant 0 : i32
    %eq3A_3 = arith.cmpi eq, %arg0, %eq3A : i32
    %jit3A = arith.constant 182 : i32
    %jit3A_4 = arith.constant 70 : i32
    %select_n3A = arith.select %eq3A_3, %jit3A, %jit3A_4 : i32
    %eq3A_5 = arith.constant 0 : i32
    %eq3A_6 = arith.cmpi eq, %arg0, %eq3A_5 : i32
    %mul3A_7 = arith.constant 182 : i32
    %mul3A_8 = arith.muli %arg1, %mul3A_7 : i32
    %mul3A_9 = arith.constant 70 : i32
    %mul3A_10 = arith.muli %arg1, %mul3A_9 : i32
    %add3A = arith.constant 2912 : i32
    %add3A_11 = arith.addi %add3A, %mul3A_10 : i32
    %select_n3A_12 = arith.select %eq3A_6, %mul3A_8, %add3A_11 : i32
    "tpu.region"() ({
      %run_scoped3A = tpu.sem_alloc : memref<!tpu.dma_semaphore, #tpu.memory_space<semaphore_mem>>
      %dma_start3A_51 = arith.constant 0 : i32
      %dma_start3A_52 = tpu.memref_slice %arg3[%select_n3A_12, %dma_start3A_51] : memref<4144x80xi32, #tpu.memory_space<hbm>> -> memref<182x80xi32, #tpu.memory_space<hbm>>
      %dma_start3A_53 = arith.constant 0 : i32
      %dma_start3A_54 = tpu.memref_slice %arg3[%select_n3A_12, %dma_start3A_53] : memref<4144x80xi32, #tpu.memory_space<hbm>> -> memref<182x80xi32, #tpu.memory_space<hbm>>
      tpu.enqueue_dma source(%dma_start3A_54 : memref<182x80xi32, #tpu.memory_space<hbm>>) target(%arg8 : memref<182x80xi32, #tpu.memory_space<vmem>>) target_semaphore(%run_scoped3A : memref<!tpu.dma_semaphore, #tpu.memory_space<semaphore_mem>>)
      %dma_wait3A = arith.constant 0 : i32
      %dma_wait3A_55 = tpu.memref_slice %arg3[%select_n3A_12, %dma_wait3A] : memref<4144x80xi32, #tpu.memory_space<hbm>> -> memref<182x80xi32, #tpu.memory_space<hbm>>
      %dma_wait3A_56 = arith.constant 0 : i32
      %dma_wait3A_57 = tpu.memref_slice %arg3[%select_n3A_12, %dma_wait3A_56] : memref<4144x80xi32, #tpu.memory_space<hbm>> -> memref<182x80xi32, #tpu.memory_space<hbm>>
      tpu.wait_dma2 semaphore(%run_scoped3A : memref<!tpu.dma_semaphore, #tpu.memory_space<semaphore_mem>>) src(%dma_wait3A_57 : memref<182x80xi32, #tpu.memory_space<hbm>>) dst(%arg8 : memref<182x80xi32, #tpu.memory_space<vmem>>)
      tpu.yield
    }) : () -> ()
    "tpu.region"() ({
      %run_scoped3A = tpu.sem_alloc : memref<!tpu.dma_semaphore, #tpu.memory_space<semaphore_mem>>
      %dma_start3A_51 = arith.constant 0 : i32
      %dma_start3A_52 = tpu.memref_slice %arg4[%select_n3A_12, %dma_start3A_51] : memref<4144x80xi32, #tpu.memory_space<hbm>> -> memref<182x80xi32, #tpu.memory_space<hbm>>
      %dma_start3A_53 = arith.constant 0 : i32
      %dma_start3A_54 = tpu.memref_slice %arg4[%select_n3A_12, %dma_start3A_53] : memref<4144x80xi32, #tpu.memory_space<hbm>> -> memref<182x80xi32, #tpu.memory_space<hbm>>
      tpu.enqueue_dma source(%dma_start3A_54 : memref<182x80xi32, #tpu.memory_space<hbm>>) target(%arg9 : memref<182x80xi32, #tpu.memory_space<vmem>>) target_semaphore(%run_scoped3A : memref<!tpu.dma_semaphore, #tpu.memory_space<semaphore_mem>>)
      %dma_wait3A = arith.constant 0 : i32
      %dma_wait3A_55 = tpu.memref_slice %arg4[%select_n3A_12, %dma_wait3A] : memref<4144x80xi32, #tpu.memory_space<hbm>> -> memref<182x80xi32, #tpu.memory_space<hbm>>
      %dma_wait3A_56 = arith.constant 0 : i32
      %dma_wait3A_57 = tpu.memref_slice %arg4[%select_n3A_12, %dma_wait3A_56] : memref<4144x80xi32, #tpu.memory_space<hbm>> -> memref<182x80xi32, #tpu.memory_space<hbm>>
      tpu.wait_dma2 semaphore(%run_scoped3A : memref<!tpu.dma_semaphore, #tpu.memory_space<semaphore_mem>>) src(%dma_wait3A_57 : memref<182x80xi32, #tpu.memory_space<hbm>>) dst(%arg9 : memref<182x80xi32, #tpu.memory_space<vmem>>)
      tpu.yield
    }) : () -> ()
    %barrier3A = arith.constant 0 : index
    tpu.barrier barrier_id(%barrier3A)
    %dma_start3A = arith.constant 0 : i32
    %dma_start3A_13 = arith.constant 0 : i32
    %dma_start3A_14 = tpu.memref_slice %arg8[%dma_start3A, %dma_start3A_13] : memref<182x80xi32, #tpu.memory_space<vmem>> -> memref<1x80xi32, #tpu.memory_space<vmem>>
    %dma_start3A_15 = tpu.memref_squeeze %dma_start3A_14 : memref<1x80xi32, #tpu.memory_space<vmem>> -> memref<80xi32, #tpu.memory_space<vmem>>
    %dma_start3A_16 = arith.constant 0 : i32
    %dma_start3A_17 = arith.constant 0 : i32
    %dma_start3A_18 = tpu.memref_slice %arg2[%dma_start3A_16, %dma_start3A_17] : memref<10016x128xf32, #tpu.memory_space<hbm>> -> memref<10016x128xf32, #tpu.memory_space<hbm>>
    tpu.enqueue_indirect_dma source(%dma_start3A_18 : memref<10016x128xf32, #tpu.memory_space<hbm>>) target(%arg10 : memref<80x128xf32, #tpu.memory_space<vmem>>) offsets(%dma_start3A_15 : memref<80xi32, #tpu.memory_space<vmem>>) semaphore(%arg12 : memref<!tpu.dma_semaphore, #tpu.memory_space<semaphore_mem>>)
    %jit3A_19 = arith.constant 2 : i32
    %div3A = arith.divsi %select_n3A, %jit3A_19 : i32
    %sign3A = arith.constant 0 : i32
    %sign3A_20 = arith.cmpi sgt, %select_n3A, %sign3A : i32
    %sign3A_21 = arith.extui %sign3A_20 : i1 to i32
    %sign3A_22 = arith.constant 0 : i32
    %sign3A_23 = arith.cmpi slt, %select_n3A, %sign3A_22 : i32
    %sign3A_24 = arith.extui %sign3A_23 : i1 to i32
    %sign3A_25 = arith.subi %sign3A_21, %sign3A_24 : i32
    %sign3A_26 = arith.constant 0 : i32
    %sign3A_27 = arith.cmpi sgt, %jit3A_19, %sign3A_26 : i32
    %sign3A_28 = arith.extui %sign3A_27 : i1 to i32
    %sign3A_29 = arith.constant 0 : i32
    %sign3A_30 = arith.cmpi slt, %jit3A_19, %sign3A_29 : i32
    %sign3A_31 = arith.extui %sign3A_30 : i1 to i32
    %sign3A_32 = arith.subi %sign3A_28, %sign3A_31 : i32
    %ne3A = arith.cmpi ne, %sign3A_25, %sign3A_32 : i32
    %rem3A = arith.remsi %select_n3A, %jit3A_19 : i32
    %ne3A_33 = arith.constant 0 : i32
    %ne3A_34 = arith.cmpi ne, %rem3A, %ne3A_33 : i32
    %and3A = arith.andi %ne3A, %ne3A_34 : i1
    %sub3A = arith.constant 1 : i32
    %sub3A_35 = arith.subi %div3A, %sub3A : i32
    %select_n3A_36 = arith.select %and3A, %sub3A_35, %div3A : i32
    %while3A = arith.constant 0 : i32
    %while3A_37 = arith.constant 0 : i32
    %while3A_38 = arith.subi %select_n3A_36, %while3A_37 : i32
    %while3A_39 = arith.addi %while3A_37, %while3A_38 : i32
    %while3A_40 = arith.constant 1 : i32
    %while3A_41 = arith.divsi %while3A_38, %while3A_40 : i32
    %while3A_42 = arith.muli %while3A_41, %while3A_40 : i32
    %while3A_43 = arith.addi %while3A_37, %while3A_42 : i32
    %while3A_44 = arith.constant 1 : i32
    scf.for %while3A_51 = %while3A_37 to %while3A_43 step %while3A_44  : i32 {
      %mul3A_52 = arith.constant 2 : i32
      %mul3A_53 = arith.muli %while3A_51, %mul3A_52 : i32
      %add3A_54 = arith.constant 1 : i32
      %add3A_55 = arith.addi %mul3A_53, %add3A_54 : i32
      %dma_start3A_56 = arith.constant 0 : i32
      %dma_start3A_57 = tpu.memref_slice %arg8[%add3A_55, %dma_start3A_56] : memref<182x80xi32, #tpu.memory_space<vmem>> -> memref<1x80xi32, #tpu.memory_space<vmem>>
      %dma_start3A_58 = tpu.memref_squeeze %dma_start3A_57 : memref<1x80xi32, #tpu.memory_space<vmem>> -> memref<80xi32, #tpu.memory_space<vmem>>
      %dma_start3A_59 = arith.constant 0 : i32
      %dma_start3A_60 = arith.constant 0 : i32
      %dma_start3A_61 = tpu.memref_slice %arg2[%dma_start3A_59, %dma_start3A_60] : memref<10016x128xf32, #tpu.memory_space<hbm>> -> memref<10016x128xf32, #tpu.memory_space<hbm>>
      tpu.enqueue_indirect_dma source(%dma_start3A_61 : memref<10016x128xf32, #tpu.memory_space<hbm>>) target(%arg11 : memref<80x128xf32, #tpu.memory_space<vmem>>) offsets(%dma_start3A_58 : memref<80xi32, #tpu.memory_space<vmem>>) semaphore(%arg13 : memref<!tpu.dma_semaphore, #tpu.memory_space<semaphore_mem>>)
      %dma_wait3A = arith.constant 0 : i32
      %dma_wait3A_62 = tpu.memref_slice %arg8[%mul3A_53, %dma_wait3A] : memref<182x80xi32, #tpu.memory_space<vmem>> -> memref<1x80xi32, #tpu.memory_space<vmem>>
      %dma_wait3A_63 = tpu.memref_squeeze %dma_wait3A_62 : memref<1x80xi32, #tpu.memory_space<vmem>> -> memref<80xi32, #tpu.memory_space<vmem>>
      %dma_wait3A_64 = arith.constant 0 : i32
      %dma_wait3A_65 = arith.constant 0 : i32
      %dma_wait3A_66 = tpu.memref_slice %arg2[%dma_wait3A_64, %dma_wait3A_65] : memref<10016x128xf32, #tpu.memory_space<hbm>> -> memref<10016x128xf32, #tpu.memory_space<hbm>>
      tpu.wait_indirect_dma semaphore(%arg12 : memref<!tpu.dma_semaphore, #tpu.memory_space<semaphore_mem>>) src(%dma_wait3A_66 : memref<10016x128xf32, #tpu.memory_space<hbm>>) dst(%arg10 : memref<80x128xf32, #tpu.memory_space<vmem>>)
      "tpu.region"() ({
        %run_scoped3A = tpu.sem_alloc : memref<!tpu.dma_semaphore, #tpu.memory_space<semaphore_mem>>
        %dma_start3A_104 = arith.constant 0 : i32
        %dma_start3A_105 = tpu.memref_slice %arg9[%mul3A_53, %dma_start3A_104] : memref<182x80xi32, #tpu.memory_space<vmem>> -> memref<1x80xi32, #tpu.memory_space<vmem>>
        %dma_start3A_106 = tpu.memref_squeeze %dma_start3A_105 : memref<1x80xi32, #tpu.memory_space<vmem>> -> memref<80xi32, #tpu.memory_space<vmem>>
        %dma_start3A_107 = arith.constant 0 : i32
        %dma_start3A_108 = arith.constant 0 : i32
        %dma_start3A_109 = tpu.memref_slice %arg7[%dma_start3A_107, %dma_start3A_108] : memref<10016x128xf32, #tpu.memory_space<vmem_shared>> -> memref<10016x128xf32, #tpu.memory_space<vmem_shared>>
        tpu.enqueue_indirect_dma source(%arg10 : memref<80x128xf32, #tpu.memory_space<vmem>>) target(%dma_start3A_109 : memref<10016x128xf32, #tpu.memory_space<vmem_shared>>) offsets(%dma_start3A_106 : memref<80xi32, #tpu.memory_space<vmem>>) semaphore(%run_scoped3A : memref<!tpu.dma_semaphore, #tpu.memory_space<semaphore_mem>>) {add = true}
        %dma_wait3A_110 = arith.constant 0 : i32
        %dma_wait3A_111 = tpu.memref_slice %arg9[%mul3A_53, %dma_wait3A_110] : memref<182x80xi32, #tpu.memory_space<vmem>> -> memref<1x80xi32, #tpu.memory_space<vmem>>
        %dma_wait3A_112 = tpu.memref_squeeze %dma_wait3A_111 : memref<1x80xi32, #tpu.memory_space<vmem>> -> memref<80xi32, #tpu.memory_space<vmem>>
        %dma_wait3A_113 = arith.constant 0 : i32
        %dma_wait3A_114 = arith.constant 0 : i32
        %dma_wait3A_115 = tpu.memref_slice %arg7[%dma_wait3A_113, %dma_wait3A_114] : memref<10016x128xf32, #tpu.memory_space<vmem_shared>> -> memref<10016x128xf32, #tpu.memory_space<vmem_shared>>
        tpu.wait_indirect_dma semaphore(%run_scoped3A : memref<!tpu.dma_semaphore, #tpu.memory_space<semaphore_mem>>) src(%arg10 : memref<80x128xf32, #tpu.memory_space<vmem>>) dst(%dma_wait3A_115 : memref<10016x128xf32, #tpu.memory_space<vmem_shared>>)
        tpu.yield
      }) : () -> ()
      %jit3A_67 = arith.constant 2 : i32
      %div3A_68 = arith.divsi %select_n3A, %jit3A_67 : i32
      %sign3A_69 = arith.constant 0 : i32
      %sign3A_70 = arith.cmpi sgt, %select_n3A, %sign3A_69 : i32
      %sign3A_71 = arith.extui %sign3A_70 : i1 to i32
      %sign3A_72 = arith.constant 0 : i32
      %sign3A_73 = arith.cmpi slt, %select_n3A, %sign3A_72 : i32
      %sign3A_74 = arith.extui %sign3A_73 : i1 to i32
      %sign3A_75 = arith.subi %sign3A_71, %sign3A_74 : i32
      %sign3A_76 = arith.constant 0 : i32
      %sign3A_77 = arith.cmpi sgt, %jit3A_67, %sign3A_76 : i32
      %sign3A_78 = arith.extui %sign3A_77 : i1 to i32
      %sign3A_79 = arith.constant 0 : i32
      %sign3A_80 = arith.cmpi slt, %jit3A_67, %sign3A_79 : i32
      %sign3A_81 = arith.extui %sign3A_80 : i1 to i32
      %sign3A_82 = arith.subi %sign3A_78, %sign3A_81 : i32
      %ne3A_83 = arith.cmpi ne, %sign3A_75, %sign3A_82 : i32
      %rem3A_84 = arith.remsi %select_n3A, %jit3A_67 : i32
      %ne3A_85 = arith.constant 0 : i32
      %ne3A_86 = arith.cmpi ne, %rem3A_84, %ne3A_85 : i32
      %and3A_87 = arith.andi %ne3A_83, %ne3A_86 : i1
      %sub3A_88 = arith.constant 1 : i32
      %sub3A_89 = arith.subi %div3A_68, %sub3A_88 : i32
      %select_n3A_90 = arith.select %and3A_87, %sub3A_89, %div3A_68 : i32
      %sub3A_91 = arith.constant 1 : i32
      %sub3A_92 = arith.subi %select_n3A_90, %sub3A_91 : i32
      %lt3A = arith.cmpi slt, %while3A_51, %sub3A_92 : i32
      %convert_element_type3A = arith.extui %lt3A : i1 to i32
      %cond3A = arith.constant 0 : i32
      %cond3A_93 = arith.cmpi ne, %convert_element_type3A, %cond3A : i32
      scf.if %cond3A_93 {
        %add3A_104 = arith.constant 2 : i32
        %add3A_105 = arith.addi %mul3A_53, %add3A_104 : i32
        %dma_start3A_106 = arith.constant 0 : i32
        %dma_start3A_107 = tpu.memref_slice %arg8[%add3A_105, %dma_start3A_106] : memref<182x80xi32, #tpu.memory_space<vmem>> -> memref<1x80xi32, #tpu.memory_space<vmem>>
        %dma_start3A_108 = tpu.memref_squeeze %dma_start3A_107 : memref<1x80xi32, #tpu.memory_space<vmem>> -> memref<80xi32, #tpu.memory_space<vmem>>
        %dma_start3A_109 = arith.constant 0 : i32
        %dma_start3A_110 = arith.constant 0 : i32
        %dma_start3A_111 = tpu.memref_slice %arg2[%dma_start3A_109, %dma_start3A_110] : memref<10016x128xf32, #tpu.memory_space<hbm>> -> memref<10016x128xf32, #tpu.memory_space<hbm>>
        tpu.enqueue_indirect_dma source(%dma_start3A_111 : memref<10016x128xf32, #tpu.memory_space<hbm>>) target(%arg10 : memref<80x128xf32, #tpu.memory_space<vmem>>) offsets(%dma_start3A_108 : memref<80xi32, #tpu.memory_space<vmem>>) semaphore(%arg12 : memref<!tpu.dma_semaphore, #tpu.memory_space<semaphore_mem>>)
      } else {
      }
      %add3A_94 = arith.constant 1 : i32
      %add3A_95 = arith.addi %mul3A_53, %add3A_94 : i32
      %dma_wait3A_96 = arith.constant 0 : i32
      %dma_wait3A_97 = tpu.memref_slice %arg8[%add3A_95, %dma_wait3A_96] : memref<182x80xi32, #tpu.memory_space<vmem>> -> memref<1x80xi32, #tpu.memory_space<vmem>>
      %dma_wait3A_98 = tpu.memref_squeeze %dma_wait3A_97 : memref<1x80xi32, #tpu.memory_space<vmem>> -> memref<80xi32, #tpu.memory_space<vmem>>
      %dma_wait3A_99 = arith.constant 0 : i32
      %dma_wait3A_100 = arith.constant 0 : i32
      %dma_wait3A_101 = tpu.memref_slice %arg2[%dma_wait3A_99, %dma_wait3A_100] : memref<10016x128xf32, #tpu.memory_space<hbm>> -> memref<10016x128xf32, #tpu.memory_space<hbm>>
      tpu.wait_indirect_dma semaphore(%arg13 : memref<!tpu.dma_semaphore, #tpu.memory_space<semaphore_mem>>) src(%dma_wait3A_101 : memref<10016x128xf32, #tpu.memory_space<hbm>>) dst(%arg11 : memref<80x128xf32, #tpu.memory_space<vmem>>)
      %add3A_102 = arith.constant 1 : i32
      %add3A_103 = arith.addi %mul3A_53, %add3A_102 : i32
      "tpu.region"() ({
        %run_scoped3A = tpu.sem_alloc : memref<!tpu.dma_semaphore, #tpu.memory_space<semaphore_mem>>
        %dma_start3A_104 = arith.constant 0 : i32
        %dma_start3A_105 = tpu.memref_slice %arg9[%add3A_103, %dma_start3A_104] : memref<182x80xi32, #tpu.memory_space<vmem>> -> memref<1x80xi32, #tpu.memory_space<vmem>>
        %dma_start3A_106 = tpu.memref_squeeze %dma_start3A_105 : memref<1x80xi32, #tpu.memory_space<vmem>> -> memref<80xi32, #tpu.memory_space<vmem>>
        %dma_start3A_107 = arith.constant 0 : i32
        %dma_start3A_108 = arith.constant 0 : i32
        %dma_start3A_109 = tpu.memref_slice %arg7[%dma_start3A_107, %dma_start3A_108] : memref<10016x128xf32, #tpu.memory_space<vmem_shared>> -> memref<10016x128xf32, #tpu.memory_space<vmem_shared>>
        tpu.enqueue_indirect_dma source(%arg11 : memref<80x128xf32, #tpu.memory_space<vmem>>) target(%dma_start3A_109 : memref<10016x128xf32, #tpu.memory_space<vmem_shared>>) offsets(%dma_start3A_106 : memref<80xi32, #tpu.memory_space<vmem>>) semaphore(%run_scoped3A : memref<!tpu.dma_semaphore, #tpu.memory_space<semaphore_mem>>) {add = true}
        %dma_wait3A_110 = arith.constant 0 : i32
        %dma_wait3A_111 = tpu.memref_slice %arg9[%add3A_103, %dma_wait3A_110] : memref<182x80xi32, #tpu.memory_space<vmem>> -> memref<1x80xi32, #tpu.memory_space<vmem>>
        %dma_wait3A_112 = tpu.memref_squeeze %dma_wait3A_111 : memref<1x80xi32, #tpu.memory_space<vmem>> -> memref<80xi32, #tpu.memory_space<vmem>>
        %dma_wait3A_113 = arith.constant 0 : i32
        %dma_wait3A_114 = arith.constant 0 : i32
        %dma_wait3A_115 = tpu.memref_slice %arg7[%dma_wait3A_113, %dma_wait3A_114] : memref<10016x128xf32, #tpu.memory_space<vmem_shared>> -> memref<10016x128xf32, #tpu.memory_space<vmem_shared>>
        tpu.wait_indirect_dma semaphore(%run_scoped3A : memref<!tpu.dma_semaphore, #tpu.memory_space<semaphore_mem>>) src(%arg11 : memref<80x128xf32, #tpu.memory_space<vmem>>) dst(%dma_wait3A_115 : memref<10016x128xf32, #tpu.memory_space<vmem_shared>>)
        tpu.yield
      }) : () -> ()
    }
    %while3A_45 = arith.constant 1 : i32
    scf.for %while3A_51 = %while3A_43 to %while3A_39 step %while3A_45  : i32 {
      %mul3A_52 = arith.constant 2 : i32
      %mul3A_53 = arith.muli %while3A_51, %mul3A_52 : i32
      %add3A_54 = arith.constant 1 : i32
      %add3A_55 = arith.addi %mul3A_53, %add3A_54 : i32
      %dma_start3A_56 = arith.constant 0 : i32
      %dma_start3A_57 = tpu.memref_slice %arg8[%add3A_55, %dma_start3A_56] : memref<182x80xi32, #tpu.memory_space<vmem>> -> memref<1x80xi32, #tpu.memory_space<vmem>>
      %dma_start3A_58 = tpu.memref_squeeze %dma_start3A_57 : memref<1x80xi32, #tpu.memory_space<vmem>> -> memref<80xi32, #tpu.memory_space<vmem>>
      %dma_start3A_59 = arith.constant 0 : i32
      %dma_start3A_60 = arith.constant 0 : i32
      %dma_start3A_61 = tpu.memref_slice %arg2[%dma_start3A_59, %dma_start3A_60] : memref<10016x128xf32, #tpu.memory_space<hbm>> -> memref<10016x128xf32, #tpu.memory_space<hbm>>
      tpu.enqueue_indirect_dma source(%dma_start3A_61 : memref<10016x128xf32, #tpu.memory_space<hbm>>) target(%arg11 : memref<80x128xf32, #tpu.memory_space<vmem>>) offsets(%dma_start3A_58 : memref<80xi32, #tpu.memory_space<vmem>>) semaphore(%arg13 : memref<!tpu.dma_semaphore, #tpu.memory_space<semaphore_mem>>)
      %dma_wait3A = arith.constant 0 : i32
      %dma_wait3A_62 = tpu.memref_slice %arg8[%mul3A_53, %dma_wait3A] : memref<182x80xi32, #tpu.memory_space<vmem>> -> memref<1x80xi32, #tpu.memory_space<vmem>>
      %dma_wait3A_63 = tpu.memref_squeeze %dma_wait3A_62 : memref<1x80xi32, #tpu.memory_space<vmem>> -> memref<80xi32, #tpu.memory_space<vmem>>
      %dma_wait3A_64 = arith.constant 0 : i32
      %dma_wait3A_65 = arith.constant 0 : i32
      %dma_wait3A_66 = tpu.memref_slice %arg2[%dma_wait3A_64, %dma_wait3A_65] : memref<10016x128xf32, #tpu.memory_space<hbm>> -> memref<10016x128xf32, #tpu.memory_space<hbm>>
      tpu.wait_indirect_dma semaphore(%arg12 : memref<!tpu.dma_semaphore, #tpu.memory_space<semaphore_mem>>) src(%dma_wait3A_66 : memref<10016x128xf32, #tpu.memory_space<hbm>>) dst(%arg10 : memref<80x128xf32, #tpu.memory_space<vmem>>)
      "tpu.region"() ({
        %run_scoped3A = tpu.sem_alloc : memref<!tpu.dma_semaphore, #tpu.memory_space<semaphore_mem>>
        %dma_start3A_104 = arith.constant 0 : i32
        %dma_start3A_105 = tpu.memref_slice %arg9[%mul3A_53, %dma_start3A_104] : memref<182x80xi32, #tpu.memory_space<vmem>> -> memref<1x80xi32, #tpu.memory_space<vmem>>
        %dma_start3A_106 = tpu.memref_squeeze %dma_start3A_105 : memref<1x80xi32, #tpu.memory_space<vmem>> -> memref<80xi32, #tpu.memory_space<vmem>>
        %dma_start3A_107 = arith.constant 0 : i32
        %dma_start3A_108 = arith.constant 0 : i32
        %dma_start3A_109 = tpu.memref_slice %arg7[%dma_start3A_107, %dma_start3A_108] : memref<10016x128xf32, #tpu.memory_space<vmem_shared>> -> memref<10016x128xf32, #tpu.memory_space<vmem_shared>>
        tpu.enqueue_indirect_dma source(%arg10 : memref<80x128xf32, #tpu.memory_space<vmem>>) target(%dma_start3A_109 : memref<10016x128xf32, #tpu.memory_space<vmem_shared>>) offsets(%dma_start3A_106 : memref<80xi32, #tpu.memory_space<vmem>>) semaphore(%run_scoped3A : memref<!tpu.dma_semaphore, #tpu.memory_space<semaphore_mem>>) {add = true}
        %dma_wait3A_110 = arith.constant 0 : i32
        %dma_wait3A_111 = tpu.memref_slice %arg9[%mul3A_53, %dma_wait3A_110] : memref<182x80xi32, #tpu.memory_space<vmem>> -> memref<1x80xi32, #tpu.memory_space<vmem>>
        %dma_wait3A_112 = tpu.memref_squeeze %dma_wait3A_111 : memref<1x80xi32, #tpu.memory_space<vmem>> -> memref<80xi32, #tpu.memory_space<vmem>>
        %dma_wait3A_113 = arith.constant 0 : i32
        %dma_wait3A_114 = arith.constant 0 : i32
        %dma_wait3A_115 = tpu.memref_slice %arg7[%dma_wait3A_113, %dma_wait3A_114] : memref<10016x128xf32, #tpu.memory_space<vmem_shared>> -> memref<10016x128xf32, #tpu.memory_space<vmem_shared>>
        tpu.wait_indirect_dma semaphore(%run_scoped3A : memref<!tpu.dma_semaphore, #tpu.memory_space<semaphore_mem>>) src(%arg10 : memref<80x128xf32, #tpu.memory_space<vmem>>) dst(%dma_wait3A_115 : memref<10016x128xf32, #tpu.memory_space<vmem_shared>>)
        tpu.yield
      }) : () -> ()
      %jit3A_67 = arith.constant 2 : i32
      %div3A_68 = arith.divsi %select_n3A, %jit3A_67 : i32
      %sign3A_69 = arith.constant 0 : i32
      %sign3A_70 = arith.cmpi sgt, %select_n3A, %sign3A_69 : i32
      %sign3A_71 = arith.extui %sign3A_70 : i1 to i32
      %sign3A_72 = arith.constant 0 : i32
      %sign3A_73 = arith.cmpi slt, %select_n3A, %sign3A_72 : i32
      %sign3A_74 = arith.extui %sign3A_73 : i1 to i32
      %sign3A_75 = arith.subi %sign3A_71, %sign3A_74 : i32
      %sign3A_76 = arith.constant 0 : i32
      %sign3A_77 = arith.cmpi sgt, %jit3A_67, %sign3A_76 : i32
      %sign3A_78 = arith.extui %sign3A_77 : i1 to i32
      %sign3A_79 = arith.constant 0 : i32
      %sign3A_80 = arith.cmpi slt, %jit3A_67, %sign3A_79 : i32
      %sign3A_81 = arith.extui %sign3A_80 : i1 to i32
      %sign3A_82 = arith.subi %sign3A_78, %sign3A_81 : i32
      %ne3A_83 = arith.cmpi ne, %sign3A_75, %sign3A_82 : i32
      %rem3A_84 = arith.remsi %select_n3A, %jit3A_67 : i32
      %ne3A_85 = arith.constant 0 : i32
      %ne3A_86 = arith.cmpi ne, %rem3A_84, %ne3A_85 : i32
      %and3A_87 = arith.andi %ne3A_83, %ne3A_86 : i1
      %sub3A_88 = arith.constant 1 : i32
      %sub3A_89 = arith.subi %div3A_68, %sub3A_88 : i32
      %select_n3A_90 = arith.select %and3A_87, %sub3A_89, %div3A_68 : i32
      %sub3A_91 = arith.constant 1 : i32
      %sub3A_92 = arith.subi %select_n3A_90, %sub3A_91 : i32
      %lt3A = arith.cmpi slt, %while3A_51, %sub3A_92 : i32
      %convert_element_type3A = arith.extui %lt3A : i1 to i32
      %cond3A = arith.constant 0 : i32
      %cond3A_93 = arith.cmpi ne, %convert_element_type3A, %cond3A : i32
      scf.if %cond3A_93 {
        %add3A_104 = arith.constant 2 : i32
        %add3A_105 = arith.addi %mul3A_53, %add3A_104 : i32
        %dma_start3A_106 = arith.constant 0 : i32
        %dma_start3A_107 = tpu.memref_slice %arg8[%add3A_105, %dma_start3A_106] : memref<182x80xi32, #tpu.memory_space<vmem>> -> memref<1x80xi32, #tpu.memory_space<vmem>>
        %dma_start3A_108 = tpu.memref_squeeze %dma_start3A_107 : memref<1x80xi32, #tpu.memory_space<vmem>> -> memref<80xi32, #tpu.memory_space<vmem>>
        %dma_start3A_109 = arith.constant 0 : i32
        %dma_start3A_110 = arith.constant 0 : i32
        %dma_start3A_111 = tpu.memref_slice %arg2[%dma_start3A_109, %dma_start3A_110] : memref<10016x128xf32, #tpu.memory_space<hbm>> -> memref<10016x128xf32, #tpu.memory_space<hbm>>
        tpu.enqueue_indirect_dma source(%dma_start3A_111 : memref<10016x128xf32, #tpu.memory_space<hbm>>) target(%arg10 : memref<80x128xf32, #tpu.memory_space<vmem>>) offsets(%dma_start3A_108 : memref<80xi32, #tpu.memory_space<vmem>>) semaphore(%arg12 : memref<!tpu.dma_semaphore, #tpu.memory_space<semaphore_mem>>)
      } else {
      }
      %add3A_94 = arith.constant 1 : i32
      %add3A_95 = arith.addi %mul3A_53, %add3A_94 : i32
      %dma_wait3A_96 = arith.constant 0 : i32
      %dma_wait3A_97 = tpu.memref_slice %arg8[%add3A_95, %dma_wait3A_96] : memref<182x80xi32, #tpu.memory_space<vmem>> -> memref<1x80xi32, #tpu.memory_space<vmem>>
      %dma_wait3A_98 = tpu.memref_squeeze %dma_wait3A_97 : memref<1x80xi32, #tpu.memory_space<vmem>> -> memref<80xi32, #tpu.memory_space<vmem>>
      %dma_wait3A_99 = arith.constant 0 : i32
      %dma_wait3A_100 = arith.constant 0 : i32
      %dma_wait3A_101 = tpu.memref_slice %arg2[%dma_wait3A_99, %dma_wait3A_100] : memref<10016x128xf32, #tpu.memory_space<hbm>> -> memref<10016x128xf32, #tpu.memory_space<hbm>>
      tpu.wait_indirect_dma semaphore(%arg13 : memref<!tpu.dma_semaphore, #tpu.memory_space<semaphore_mem>>) src(%dma_wait3A_101 : memref<10016x128xf32, #tpu.memory_space<hbm>>) dst(%arg11 : memref<80x128xf32, #tpu.memory_space<vmem>>)
      %add3A_102 = arith.constant 1 : i32
      %add3A_103 = arith.addi %mul3A_53, %add3A_102 : i32
      "tpu.region"() ({
        %run_scoped3A = tpu.sem_alloc : memref<!tpu.dma_semaphore, #tpu.memory_space<semaphore_mem>>
        %dma_start3A_104 = arith.constant 0 : i32
        %dma_start3A_105 = tpu.memref_slice %arg9[%add3A_103, %dma_start3A_104] : memref<182x80xi32, #tpu.memory_space<vmem>> -> memref<1x80xi32, #tpu.memory_space<vmem>>
        %dma_start3A_106 = tpu.memref_squeeze %dma_start3A_105 : memref<1x80xi32, #tpu.memory_space<vmem>> -> memref<80xi32, #tpu.memory_space<vmem>>
        %dma_start3A_107 = arith.constant 0 : i32
        %dma_start3A_108 = arith.constant 0 : i32
        %dma_start3A_109 = tpu.memref_slice %arg7[%dma_start3A_107, %dma_start3A_108] : memref<10016x128xf32, #tpu.memory_space<vmem_shared>> -> memref<10016x128xf32, #tpu.memory_space<vmem_shared>>
        tpu.enqueue_indirect_dma source(%arg11 : memref<80x128xf32, #tpu.memory_space<vmem>>) target(%dma_start3A_109 : memref<10016x128xf32, #tpu.memory_space<vmem_shared>>) offsets(%dma_start3A_106 : memref<80xi32, #tpu.memory_space<vmem>>) semaphore(%run_scoped3A : memref<!tpu.dma_semaphore, #tpu.memory_space<semaphore_mem>>) {add = true}
        %dma_wait3A_110 = arith.constant 0 : i32
        %dma_wait3A_111 = tpu.memref_slice %arg9[%add3A_103, %dma_wait3A_110] : memref<182x80xi32, #tpu.memory_space<vmem>> -> memref<1x80xi32, #tpu.memory_space<vmem>>
        %dma_wait3A_112 = tpu.memref_squeeze %dma_wait3A_111 : memref<1x80xi32, #tpu.memory_space<vmem>> -> memref<80xi32, #tpu.memory_space<vmem>>
        %dma_wait3A_113 = arith.constant 0 : i32
        %dma_wait3A_114 = arith.constant 0 : i32
        %dma_wait3A_115 = tpu.memref_slice %arg7[%dma_wait3A_113, %dma_wait3A_114] : memref<10016x128xf32, #tpu.memory_space<vmem_shared>> -> memref<10016x128xf32, #tpu.memory_space<vmem_shared>>
        tpu.wait_indirect_dma semaphore(%run_scoped3A : memref<!tpu.dma_semaphore, #tpu.memory_space<semaphore_mem>>) src(%arg11 : memref<80x128xf32, #tpu.memory_space<vmem>>) dst(%dma_wait3A_115 : memref<10016x128xf32, #tpu.memory_space<vmem_shared>>)
        tpu.yield
      }) : () -> ()
    }
    %barrier3A_46 = arith.constant 0 : index
    tpu.barrier barrier_id(%barrier3A_46)
    %mul3A_47 = arith.constant 626 : i32
    %mul3A_48 = arith.muli %arg1, %mul3A_47 : i32
    %mul3A_49 = arith.constant 626 : i32
    %mul3A_50 = arith.muli %arg1, %mul3A_49 : i32
    "tpu.region"() ({
      %run_scoped3A = tpu.sem_alloc : memref<!tpu.dma_semaphore, #tpu.memory_space<semaphore_mem>>
      %dma_start3A_51 = arith.constant 0 : i32
      %dma_start3A_52 = arith.constant 0 : i32
      %dma_start3A_53 = tpu.memref_slice %arg6[%arg0, %dma_start3A_51, %dma_start3A_52] : memref<2x10016x128xf32, #tpu.memory_space<hbm>> -> memref<1x10016x128xf32, #tpu.memory_space<hbm>>
      %dma_start3A_54 = tpu.memref_squeeze %dma_start3A_53 : memref<1x10016x128xf32, #tpu.memory_space<hbm>> -> memref<10016x128xf32, #tpu.memory_space<hbm>>
      %dma_start3A_55 = arith.constant 0 : i32
      %dma_start3A_56 = tpu.memref_slice %dma_start3A_54[%mul3A_50, %dma_start3A_55] : memref<10016x128xf32, #tpu.memory_space<hbm>> -> memref<626x128xf32, #tpu.memory_space<hbm>>
      %dma_start3A_57 = arith.constant 0 : i32
      %dma_start3A_58 = tpu.memref_slice %arg7[%mul3A_48, %dma_start3A_57] : memref<10016x128xf32, #tpu.memory_space<vmem_shared>> -> memref<626x128xf32, #tpu.memory_space<vmem_shared>>
      tpu.enqueue_dma source(%dma_start3A_58 : memref<626x128xf32, #tpu.memory_space<vmem_shared>>) target(%dma_start3A_56 : memref<626x128xf32, #tpu.memory_space<hbm>>) target_semaphore(%run_scoped3A : memref<!tpu.dma_semaphore, #tpu.memory_space<semaphore_mem>>)
      %dma_wait3A = arith.constant 0 : i32
      %dma_wait3A_59 = arith.constant 0 : i32
      %dma_wait3A_60 = tpu.memref_slice %arg6[%arg0, %dma_wait3A, %dma_wait3A_59] : memref<2x10016x128xf32, #tpu.memory_space<hbm>> -> memref<1x10016x128xf32, #tpu.memory_space<hbm>>
      %dma_wait3A_61 = tpu.memref_squeeze %dma_wait3A_60 : memref<1x10016x128xf32, #tpu.memory_space<hbm>> -> memref<10016x128xf32, #tpu.memory_space<hbm>>
      %dma_wait3A_62 = arith.constant 0 : i32
      %dma_wait3A_63 = tpu.memref_slice %dma_wait3A_61[%mul3A_50, %dma_wait3A_62] : memref<10016x128xf32, #tpu.memory_space<hbm>> -> memref<626x128xf32, #tpu.memory_space<hbm>>
      %dma_wait3A_64 = arith.constant 0 : i32
      %dma_wait3A_65 = tpu.memref_slice %arg7[%mul3A_48, %dma_wait3A_64] : memref<10016x128xf32, #tpu.memory_space<vmem_shared>> -> memref<626x128xf32, #tpu.memory_space<vmem_shared>>
      tpu.wait_dma2 semaphore(%run_scoped3A : memref<!tpu.dma_semaphore, #tpu.memory_space<semaphore_mem>>) src(%dma_wait3A_65 : memref<626x128xf32, #tpu.memory_space<vmem_shared>>) dst(%dma_wait3A_63 : memref<626x128xf32, #tpu.memory_space<hbm>>)
      tpu.yield
    }) : () -> ()
    return
  }
}

module attributes {stable_mosaic.version = 14 : i64} {
  func.func @_tc_mid_body(%arg0: memref<2x10016x128xf32, #tpu.memory_space<vmem>>, %arg1: memref<2x10016x16xf32, #tpu.memory_space<vmem>>, %arg2: memref<10016x128xf32, #tpu.memory_space<vmem>>, %arg3: memref<128x128xf32, #tpu.memory_space<vmem>>, %arg4: memref<128x128xf32, #tpu.memory_space<vmem>>, %arg5: memref<1x128xf32, #tpu.memory_space<vmem>>, %arg6: memref<1x128xf32, #tpu.memory_space<vmem>>, %arg7: memref<1x128xf32, #tpu.memory_space<vmem>>, %arg8: memref<10016x128xf32, #tpu.memory_space<vmem>>) attributes {dimension_semantics = [], scalar_prefetch = 0 : i64, scratch_operands = 0 : i64, tpu.core_type = #tpu.core_type<tc>} {
    %get3A = arith.constant 0 : index
    %get3A_0 = arith.constant 0 : index
    %get3A_1 = arith.constant 0 : index
    %get3A_2 = vector.load %arg0[%get3A, %get3A_0, %get3A_1] : memref<2x10016x128xf32, #tpu.memory_space<vmem>>, vector<2x10016x128xf32>
    %get3A_3 = arith.constant 0 : index
    %get3A_4 = arith.constant 0 : index
    %get3A_5 = arith.constant 0 : index
    %get3A_6 = vector.load %arg1[%get3A_3, %get3A_4, %get3A_5] : memref<2x10016x16xf32, #tpu.memory_space<vmem>>, vector<2x10016x16xf32>
    %get3A_7 = arith.constant 0 : index
    %get3A_8 = arith.constant 0 : index
    %get3A_9 = vector.load %arg2[%get3A_7, %get3A_8] : memref<10016x128xf32, #tpu.memory_space<vmem>>, vector<10016x128xf32>
    %get3A_10 = arith.constant 0 : index
    %get3A_11 = arith.constant 0 : index
    %get3A_12 = vector.load %arg3[%get3A_10, %get3A_11] : memref<128x128xf32, #tpu.memory_space<vmem>>, vector<128x128xf32>
    %get3A_13 = arith.constant 0 : index
    %get3A_14 = arith.constant 0 : index
    %get3A_15 = vector.load %arg4[%get3A_13, %get3A_14] : memref<128x128xf32, #tpu.memory_space<vmem>>, vector<128x128xf32>
    %get3A_16 = arith.constant 0 : index
    %get3A_17 = arith.constant 0 : index
    %get3A_18 = vector.load %arg5[%get3A_16, %get3A_17] : memref<1x128xf32, #tpu.memory_space<vmem>>, vector<1x128xf32>
    %slice3A = vector.extract_strided_slice %get3A_2 {offsets = [0, 0, 0], sizes = [1, 10016, 128], strides = [1, 1, 1]} : vector<2x10016x128xf32> to vector<1x10016x128xf32>
    %squeeze3A = vector.shape_cast %slice3A : vector<1x10016x128xf32> to vector<10016x128xf32>
    %slice3A_19 = vector.extract_strided_slice %get3A_2 {offsets = [1, 0, 0], sizes = [1, 10016, 128], strides = [1, 1, 1]} : vector<2x10016x128xf32> to vector<1x10016x128xf32>
    %squeeze3A_20 = vector.shape_cast %slice3A_19 : vector<1x10016x128xf32> to vector<10016x128xf32>
    %add3A = arith.addf %squeeze3A, %squeeze3A_20 : vector<10016x128xf32>
    %slice3A_21 = vector.extract_strided_slice %get3A_6 {offsets = [0, 0, 0], sizes = [1, 10016, 16], strides = [1, 1, 1]} : vector<2x10016x16xf32> to vector<1x10016x16xf32>
    %squeeze3A_22 = vector.shape_cast %slice3A_21 : vector<1x10016x16xf32> to vector<10016x16xf32>
    %slice3A_23 = vector.extract_strided_slice %get3A_6 {offsets = [1, 0, 0], sizes = [1, 10016, 16], strides = [1, 1, 1]} : vector<2x10016x16xf32> to vector<1x10016x16xf32>
    %squeeze3A_24 = vector.shape_cast %slice3A_23 : vector<1x10016x16xf32> to vector<10016x16xf32>
    %add3A_25 = arith.addf %squeeze3A_22, %squeeze3A_24 : vector<10016x16xf32>
    %reduce_sum3A = arith.constant dense<0.000000e+00> : vector<10016xf32>
    %reduce_sum3A_26 = vector.multi_reduction <add>, %add3A_25, %reduce_sum3A [1] : vector<10016x16xf32> to vector<10016xf32>
    %broadcast_in_dim3A = vector.shape_cast %reduce_sum3A_26 : vector<10016xf32> to vector<10016x1xf32>
    %max3A = arith.constant 1.000000e+00 : f32
    %max3A_27 = vector.broadcast %max3A : f32 to vector<10016x1xf32>
    %max3A_28 = arith.maximumf %broadcast_in_dim3A, %max3A_27 : vector<10016x1xf32>
    %div3A = arith.constant 1.000000e+00 : f32
    %div3A_29 = vector.broadcast %div3A : f32 to vector<10016x1xf32>
    %div3A_30 = arith.divf %div3A_29, %max3A_28 : vector<10016x1xf32>
    %mul3A = vector.broadcast %div3A_30 : vector<10016x1xf32> to vector<10016x128xf32>
    %mul3A_31 = arith.mulf %add3A, %mul3A : vector<10016x128xf32>
    %dot_general3A = arith.constant dense<0.000000e+00> : vector<10016x128xf32>
    %dot_general3A_32 = tpu.matmul %get3A_9, %get3A_12, %dot_general3A {dimension_numbers = #tpu.dot_dimension_numbers<[1], [0], [0], [1], [0, 0, 1, 1], [], []>, transpose_lhs_hint = false} : vector<10016x128xf32>, vector<128x128xf32>, vector<10016x128xf32> -> vector<10016x128xf32>
    %dot_general3A_33 = arith.constant dense<0.000000e+00> : vector<10016x128xf32>
    %dot_general3A_34 = tpu.matmul %mul3A_31, %get3A_15, %dot_general3A_33 {dimension_numbers = #tpu.dot_dimension_numbers<[1], [0], [0], [1], [0, 0, 1, 1], [], []>, transpose_lhs_hint = false} : vector<10016x128xf32>, vector<128x128xf32>, vector<10016x128xf32> -> vector<10016x128xf32>
    %add3A_35 = arith.addf %dot_general3A_32, %dot_general3A_34 : vector<10016x128xf32>
    %add3A_36 = vector.broadcast %get3A_18 : vector<1x128xf32> to vector<10016x128xf32>
    %add3A_37 = arith.addf %add3A_35, %add3A_36 : vector<10016x128xf32>
    %max3A_38 = arith.constant 0.000000e+00 : f32
    %max3A_39 = vector.broadcast %max3A_38 : f32 to vector<10016x128xf32>
    %max3A_40 = arith.maximumf %add3A_37, %max3A_39 : vector<10016x128xf32>
    %iota3A = tpu.iota {dimensions = array<i32: 0>} : vector<10016x1xi32>
    %lt3A = arith.constant 10000 : i32
    %lt3A_41 = vector.broadcast %lt3A : i32 to vector<10016x1xi32>
    %lt3A_42 = arith.cmpi slt, %iota3A, %lt3A_41 : vector<10016x1xi32>
    %jit3A = arith.constant 0.000000e+00 : f32
    %broadcast_in_dim3A_43 = vector.shape_cast %lt3A_42 : vector<10016x1xi1> to vector<10016x1xi1>
    %broadcast_in_dim3A_44 = vector.broadcast %broadcast_in_dim3A_43 : vector<10016x1xi1> to vector<10016x128xi1>
    %broadcast_in_dim3A_45 = vector.broadcast %jit3A : f32 to vector<10016x128xf32>
    %select_n3A = arith.select %broadcast_in_dim3A_44, %max3A_40, %broadcast_in_dim3A_45 : vector<10016x128xi1>, vector<10016x128xf32>
    %reduce_sum3A_46 = arith.constant dense<0.000000e+00> : vector<128xf32>
    %reduce_sum3A_47 = vector.multi_reduction <add>, %select_n3A, %reduce_sum3A_46 [0] : vector<10016x128xf32> to vector<128xf32>
    %broadcast_in_dim3A_48 = vector.shape_cast %reduce_sum3A_47 : vector<128xf32> to vector<1x128xf32>
    %mul3A_49 = arith.constant 9.99999974E-5 : f32
    %mul3A_50 = vector.broadcast %mul3A_49 : f32 to vector<1x128xf32>
    %mul3A_51 = arith.mulf %broadcast_in_dim3A_48, %mul3A_50 : vector<1x128xf32>
    %sub3A = vector.broadcast %mul3A_51 : vector<1x128xf32> to vector<10016x128xf32>
    %sub3A_52 = arith.subf %select_n3A, %sub3A : vector<10016x128xf32>
    %jit3A_53 = arith.constant 0.000000e+00 : f32
    %broadcast_in_dim3A_54 = vector.shape_cast %lt3A_42 : vector<10016x1xi1> to vector<10016x1xi1>
    %broadcast_in_dim3A_55 = vector.broadcast %broadcast_in_dim3A_54 : vector<10016x1xi1> to vector<10016x128xi1>
    %broadcast_in_dim3A_56 = vector.broadcast %jit3A_53 : f32 to vector<10016x128xf32>
    %select_n3A_57 = arith.select %broadcast_in_dim3A_55, %sub3A_52, %broadcast_in_dim3A_56 : vector<10016x128xi1>, vector<10016x128xf32>
    %mul3A_58 = arith.mulf %select_n3A_57, %select_n3A_57 : vector<10016x128xf32>
    %reduce_sum3A_59 = arith.constant dense<0.000000e+00> : vector<128xf32>
    %reduce_sum3A_60 = vector.multi_reduction <add>, %mul3A_58, %reduce_sum3A_59 [0] : vector<10016x128xf32> to vector<128xf32>
    %broadcast_in_dim3A_61 = vector.shape_cast %reduce_sum3A_60 : vector<128xf32> to vector<1x128xf32>
    %mul3A_62 = arith.constant 9.99999974E-5 : f32
    %mul3A_63 = vector.broadcast %mul3A_62 : f32 to vector<1x128xf32>
    %mul3A_64 = arith.mulf %broadcast_in_dim3A_61, %mul3A_63 : vector<1x128xf32>
    %add3A_65 = arith.constant 9.99999974E-6 : f32
    %add3A_66 = vector.broadcast %add3A_65 : f32 to vector<1x128xf32>
    %add3A_67 = arith.addf %mul3A_64, %add3A_66 : vector<1x128xf32>
    %rsqrt3A = math.rsqrt %add3A_67 : vector<1x128xf32>
    %mul3A_68 = vector.broadcast %rsqrt3A : vector<1x128xf32> to vector<10016x128xf32>
    %mul3A_69 = arith.mulf %select_n3A_57, %mul3A_68 : vector<10016x128xf32>
    %get3A_70 = arith.constant 0 : index
    %get3A_71 = arith.constant 0 : index
    %get3A_72 = vector.load %arg6[%get3A_70, %get3A_71] : memref<1x128xf32, #tpu.memory_space<vmem>>, vector<1x128xf32>
    %mul3A_73 = vector.broadcast %get3A_72 : vector<1x128xf32> to vector<10016x128xf32>
    %mul3A_74 = arith.mulf %mul3A_69, %mul3A_73 : vector<10016x128xf32>
    %get3A_75 = arith.constant 0 : index
    %get3A_76 = arith.constant 0 : index
    %get3A_77 = vector.load %arg7[%get3A_75, %get3A_76] : memref<1x128xf32, #tpu.memory_space<vmem>>, vector<1x128xf32>
    %add3A_78 = vector.broadcast %get3A_77 : vector<1x128xf32> to vector<10016x128xf32>
    %add3A_79 = arith.addf %mul3A_74, %add3A_78 : vector<10016x128xf32>
    %jit3A_80 = arith.constant 0.000000e+00 : f32
    %broadcast_in_dim3A_81 = vector.shape_cast %lt3A_42 : vector<10016x1xi1> to vector<10016x1xi1>
    %broadcast_in_dim3A_82 = vector.broadcast %broadcast_in_dim3A_81 : vector<10016x1xi1> to vector<10016x128xi1>
    %broadcast_in_dim3A_83 = vector.broadcast %jit3A_80 : f32 to vector<10016x128xf32>
    %select_n3A_84 = arith.select %broadcast_in_dim3A_82, %add3A_79, %broadcast_in_dim3A_83 : vector<10016x128xi1>, vector<10016x128xf32>
    %swap3A = arith.constant 0 : index
    %swap3A_85 = arith.constant 0 : index
    %swap3A_86 = vector.load %arg8[%swap3A, %swap3A_85] : memref<10016x128xf32, #tpu.memory_space<vmem>>, vector<10016x128xf32>
    tpu.vector_store %arg8[%swap3A, %swap3A_85], %select_n3A_84 {strides = array<i32>} : memref<10016x128xf32, #tpu.memory_space<vmem>>, vector<10016x128xf32>,
    return
  }
}

module attributes {stable_mosaic.version = 14 : i64} {
  func.func @_tc_head_body(%arg0: memref<2x10016x128xf32, #tpu.memory_space<vmem>>, %arg1: memref<2x10016x16xf32, #tpu.memory_space<vmem>>, %arg2: memref<10016x128xf32, #tpu.memory_space<vmem>>, %arg3: memref<128x128xf32, #tpu.memory_space<vmem>>, %arg4: memref<128x128xf32, #tpu.memory_space<vmem>>, %arg5: memref<1x128xf32, #tpu.memory_space<vmem>>, %arg6: memref<1x10016xi32, #tpu.memory_space<vmem>>, %arg7: memref<128x256xf32, #tpu.memory_space<vmem>>, %arg8: memref<1x256xf32, #tpu.memory_space<vmem>>, %arg9: memref<256x128xf32, #tpu.memory_space<vmem>>, %arg10: memref<1x128xf32, #tpu.memory_space<vmem>>, %arg11: memref<128x10xf32, #tpu.memory_space<vmem>>, %arg12: memref<1x10xf32, #tpu.memory_space<vmem>>, %arg13: memref<64x10xf32, #tpu.memory_space<vmem>>) attributes {dimension_semantics = [], scalar_prefetch = 0 : i64, scratch_operands = 0 : i64, tpu.core_type = #tpu.core_type<tc>} {
    %get3A = arith.constant 0 : index
    %get3A_0 = arith.constant 0 : index
    %get3A_1 = arith.constant 0 : index
    %get3A_2 = vector.load %arg0[%get3A, %get3A_0, %get3A_1] : memref<2x10016x128xf32, #tpu.memory_space<vmem>>, vector<2x10016x128xf32>
    %get3A_3 = arith.constant 0 : index
    %get3A_4 = arith.constant 0 : index
    %get3A_5 = arith.constant 0 : index
    %get3A_6 = vector.load %arg1[%get3A_3, %get3A_4, %get3A_5] : memref<2x10016x16xf32, #tpu.memory_space<vmem>>, vector<2x10016x16xf32>
    %get3A_7 = arith.constant 0 : index
    %get3A_8 = arith.constant 0 : index
    %get3A_9 = vector.load %arg2[%get3A_7, %get3A_8] : memref<10016x128xf32, #tpu.memory_space<vmem>>, vector<10016x128xf32>
    %get3A_10 = arith.constant 0 : index
    %get3A_11 = arith.constant 0 : index
    %get3A_12 = vector.load %arg3[%get3A_10, %get3A_11] : memref<128x128xf32, #tpu.memory_space<vmem>>, vector<128x128xf32>
    %get3A_13 = arith.constant 0 : index
    %get3A_14 = arith.constant 0 : index
    %get3A_15 = vector.load %arg4[%get3A_13, %get3A_14] : memref<128x128xf32, #tpu.memory_space<vmem>>, vector<128x128xf32>
    %get3A_16 = arith.constant 0 : index
    %get3A_17 = arith.constant 0 : index
    %get3A_18 = vector.load %arg5[%get3A_16, %get3A_17] : memref<1x128xf32, #tpu.memory_space<vmem>>, vector<1x128xf32>
    %slice3A = vector.extract_strided_slice %get3A_2 {offsets = [0, 0, 0], sizes = [1, 10016, 128], strides = [1, 1, 1]} : vector<2x10016x128xf32> to vector<1x10016x128xf32>
    %squeeze3A = vector.shape_cast %slice3A : vector<1x10016x128xf32> to vector<10016x128xf32>
    %slice3A_19 = vector.extract_strided_slice %get3A_2 {offsets = [1, 0, 0], sizes = [1, 10016, 128], strides = [1, 1, 1]} : vector<2x10016x128xf32> to vector<1x10016x128xf32>
    %squeeze3A_20 = vector.shape_cast %slice3A_19 : vector<1x10016x128xf32> to vector<10016x128xf32>
    %add3A = arith.addf %squeeze3A, %squeeze3A_20 : vector<10016x128xf32>
    %slice3A_21 = vector.extract_strided_slice %get3A_6 {offsets = [0, 0, 0], sizes = [1, 10016, 16], strides = [1, 1, 1]} : vector<2x10016x16xf32> to vector<1x10016x16xf32>
    %squeeze3A_22 = vector.shape_cast %slice3A_21 : vector<1x10016x16xf32> to vector<10016x16xf32>
    %slice3A_23 = vector.extract_strided_slice %get3A_6 {offsets = [1, 0, 0], sizes = [1, 10016, 16], strides = [1, 1, 1]} : vector<2x10016x16xf32> to vector<1x10016x16xf32>
    %squeeze3A_24 = vector.shape_cast %slice3A_23 : vector<1x10016x16xf32> to vector<10016x16xf32>
    %add3A_25 = arith.addf %squeeze3A_22, %squeeze3A_24 : vector<10016x16xf32>
    %reduce_sum3A = arith.constant dense<0.000000e+00> : vector<10016xf32>
    %reduce_sum3A_26 = vector.multi_reduction <add>, %add3A_25, %reduce_sum3A [1] : vector<10016x16xf32> to vector<10016xf32>
    %broadcast_in_dim3A = vector.shape_cast %reduce_sum3A_26 : vector<10016xf32> to vector<10016x1xf32>
    %max3A = arith.constant 1.000000e+00 : f32
    %max3A_27 = vector.broadcast %max3A : f32 to vector<10016x1xf32>
    %max3A_28 = arith.maximumf %broadcast_in_dim3A, %max3A_27 : vector<10016x1xf32>
    %div3A = arith.constant 1.000000e+00 : f32
    %div3A_29 = vector.broadcast %div3A : f32 to vector<10016x1xf32>
    %div3A_30 = arith.divf %div3A_29, %max3A_28 : vector<10016x1xf32>
    %mul3A = vector.broadcast %div3A_30 : vector<10016x1xf32> to vector<10016x128xf32>
    %mul3A_31 = arith.mulf %add3A, %mul3A : vector<10016x128xf32>
    %dot_general3A = arith.constant dense<0.000000e+00> : vector<10016x128xf32>
    %dot_general3A_32 = tpu.matmul %get3A_9, %get3A_12, %dot_general3A {dimension_numbers = #tpu.dot_dimension_numbers<[1], [0], [0], [1], [0, 0, 1, 1], [], []>, transpose_lhs_hint = false} : vector<10016x128xf32>, vector<128x128xf32>, vector<10016x128xf32> -> vector<10016x128xf32>
    %dot_general3A_33 = arith.constant dense<0.000000e+00> : vector<10016x128xf32>
    %dot_general3A_34 = tpu.matmul %mul3A_31, %get3A_15, %dot_general3A_33 {dimension_numbers = #tpu.dot_dimension_numbers<[1], [0], [0], [1], [0, 0, 1, 1], [], []>, transpose_lhs_hint = false} : vector<10016x128xf32>, vector<128x128xf32>, vector<10016x128xf32> -> vector<10016x128xf32>
    %add3A_35 = arith.addf %dot_general3A_32, %dot_general3A_34 : vector<10016x128xf32>
    %add3A_36 = vector.broadcast %get3A_18 : vector<1x128xf32> to vector<10016x128xf32>
    %add3A_37 = arith.addf %add3A_35, %add3A_36 : vector<10016x128xf32>
    %max3A_38 = arith.constant 0.000000e+00 : f32
    %max3A_39 = vector.broadcast %max3A_38 : f32 to vector<10016x128xf32>
    %max3A_40 = arith.maximumf %add3A_37, %max3A_39 : vector<10016x128xf32>
    %iota3A = tpu.iota {dimensions = array<i32: 0>} : vector<64x10016xi32>
    %get3A_41 = arith.constant 0 : index
    %get3A_42 = arith.constant 0 : index
    %get3A_43 = vector.load %arg6[%get3A_41, %get3A_42] : memref<1x10016xi32, #tpu.memory_space<vmem>>, vector<1x10016xi32>
    %eq3A = vector.broadcast %get3A_43 : vector<1x10016xi32> to vector<64x10016xi32>
    %eq3A_44 = arith.cmpi eq, %iota3A, %eq3A : vector<64x10016xi32>
    %convert_element_type3A = arith.extui %eq3A_44 : vector<64x10016xi1> to vector<64x10016xi32>
    %convert_element_type3A_45 = arith.sitofp %convert_element_type3A : vector<64x10016xi32> to vector<64x10016xf32>
    %dot_general3A_46 = arith.constant dense<0.000000e+00> : vector<64x128xf32>
    %dot_general3A_47 = tpu.matmul %convert_element_type3A_45, %max3A_40, %dot_general3A_46 {dimension_numbers = #tpu.dot_dimension_numbers<[1], [0], [0], [1], [0, 0, 1, 1], [], []>, transpose_lhs_hint = false} : vector<64x10016xf32>, vector<10016x128xf32>, vector<64x128xf32> -> vector<64x128xf32>
    %get3A_48 = arith.constant 0 : index
    %get3A_49 = arith.constant 0 : index
    %get3A_50 = vector.load %arg7[%get3A_48, %get3A_49] : memref<128x256xf32, #tpu.memory_space<vmem>>, vector<128x256xf32>
    %dot_general3A_51 = arith.constant dense<0.000000e+00> : vector<64x256xf32>
    %dot_general3A_52 = tpu.matmul %dot_general3A_47, %get3A_50, %dot_general3A_51 {dimension_numbers = #tpu.dot_dimension_numbers<[1], [0], [0], [1], [0, 0, 1, 1], [], []>, transpose_lhs_hint = false} : vector<64x128xf32>, vector<128x256xf32>, vector<64x256xf32> -> vector<64x256xf32>
    %get3A_53 = arith.constant 0 : index
    %get3A_54 = arith.constant 0 : index
    %get3A_55 = vector.load %arg8[%get3A_53, %get3A_54] : memref<1x256xf32, #tpu.memory_space<vmem>>, vector<1x256xf32>
    %add3A_56 = vector.broadcast %get3A_55 : vector<1x256xf32> to vector<64x256xf32>
    %add3A_57 = arith.addf %dot_general3A_52, %add3A_56 : vector<64x256xf32>
    %max3A_58 = arith.constant 0.000000e+00 : f32
    %max3A_59 = vector.broadcast %max3A_58 : f32 to vector<64x256xf32>
    %max3A_60 = arith.maximumf %add3A_57, %max3A_59 : vector<64x256xf32>
    %get3A_61 = arith.constant 0 : index
    %get3A_62 = arith.constant 0 : index
    %get3A_63 = vector.load %arg9[%get3A_61, %get3A_62] : memref<256x128xf32, #tpu.memory_space<vmem>>, vector<256x128xf32>
    %dot_general3A_64 = arith.constant dense<0.000000e+00> : vector<64x128xf32>
    %dot_general3A_65 = tpu.matmul %max3A_60, %get3A_63, %dot_general3A_64 {dimension_numbers = #tpu.dot_dimension_numbers<[1], [0], [0], [1], [0, 0, 1, 1], [], []>, transpose_lhs_hint = false} : vector<64x256xf32>, vector<256x128xf32>, vector<64x128xf32> -> vector<64x128xf32>
    %get3A_66 = arith.constant 0 : index
    %get3A_67 = arith.constant 0 : index
    %get3A_68 = vector.load %arg10[%get3A_66, %get3A_67] : memref<1x128xf32, #tpu.memory_space<vmem>>, vector<1x128xf32>
    %add3A_69 = vector.broadcast %get3A_68 : vector<1x128xf32> to vector<64x128xf32>
    %add3A_70 = arith.addf %dot_general3A_65, %add3A_69 : vector<64x128xf32>
    %max3A_71 = arith.constant 0.000000e+00 : f32
    %max3A_72 = vector.broadcast %max3A_71 : f32 to vector<64x128xf32>
    %max3A_73 = arith.maximumf %add3A_70, %max3A_72 : vector<64x128xf32>
    %get3A_74 = arith.constant 0 : index
    %get3A_75 = arith.constant 0 : index
    %get3A_76 = vector.load %arg11[%get3A_74, %get3A_75] : memref<128x10xf32, #tpu.memory_space<vmem>>, vector<128x10xf32>
    %dot_general3A_77 = arith.constant dense<0.000000e+00> : vector<64x10xf32>
    %dot_general3A_78 = tpu.matmul %max3A_73, %get3A_76, %dot_general3A_77 {dimension_numbers = #tpu.dot_dimension_numbers<[1], [0], [0], [1], [0, 0, 1, 1], [], []>, transpose_lhs_hint = false} : vector<64x128xf32>, vector<128x10xf32>, vector<64x10xf32> -> vector<64x10xf32>
    %get3A_79 = arith.constant 0 : index
    %get3A_80 = arith.constant 0 : index
    %get3A_81 = vector.load %arg12[%get3A_79, %get3A_80] : memref<1x10xf32, #tpu.memory_space<vmem>>, vector<1x10xf32>
    %add3A_82 = vector.broadcast %get3A_81 : vector<1x10xf32> to vector<64x10xf32>
    %add3A_83 = arith.addf %dot_general3A_78, %add3A_82 : vector<64x10xf32>
    %swap3A = arith.constant 0 : index
    %swap3A_84 = arith.constant 0 : index
    %swap3A_85 = vector.load %arg13[%swap3A, %swap3A_84] : memref<64x10xf32, #tpu.memory_space<vmem>>, vector<64x10xf32>
    tpu.vector_store %arg13[%swap3A, %swap3A_84], %add3A_83 {strides = array<i32>} : memref<64x10xf32, #tpu.memory_space<vmem>>, vector<64x10xf32>,
    return
  }
}

</mosaic_0001>

<sc_bundles>
// kernel: kernel.11.cloned.1.call-start
scs
__scs_entry_jumppad:
0x0: {  	(pc) =	sbr.rel $0x88, $3  }
0x1: {  	(tag) =	ssettag $0x0;
	lr =	simm.s32 $0x1  }
0x2: {  	[smem:$0x3F8B] =	sst lr;
	_ =	strace $0xD0000000  }
0x3: {  	_ = 	snop  }
0x4: {  	_ = 	snop  }
0x5: {  	_ = 	snop  }
0x6: {  	_ = 	snop  }
0x7: {  	_ = 	snop  }
__scs_overlays_trampoline_lowered:
0x8: {  	[smem:$0x3F9A] =	sst s0  }
0x9: {  	[smem:$0x3F9B] =	sst s1  }
0xa: {  	[smem:$0x3F9C] =	sst s2  }
0xb: {  	[smem:$0x3F9D] =	sst s3  }
0xc: {  	[smem:$0x3F9E] =	sst s4  }
0xd: {  	[smem:$0x3F9F] =	sst s5  }
0xe: {  	[smem:$0x3FA0] =	sst s6  }
0xf: {  	[smem:$0x3FA1] =	sst s7  }
0x10: {  	[smem:$0x3FA2] =	sst s8  }
0x11: {  	[smem:$0x3FA3] =	sst s9;
	s0 =	simm.s32 @!p0 $0x0  }
0x12: {  	s1 =	sld [smem:$0x3F89];
	s0 =	simm.s32 @p0 $0x1  }
0x13: {  	[smem:$0x3FA4] =	sst s0;
	s0 =	simm.s32 @!p1 $0x0  }
0x14: {  	s2 =	sld [smem:$0x3F88];
	s0 =	simm.s32 @p1 $0x1  }
0x15: {  	[smem:$0x3FA5] =	sst s0;
	s0 =	simm.s32 @!p2 $0x0  }
0x16: {  	s3 =	sld [smem:$0x3FDB];
	s0 =	simm.s32 @p2 $0x1  }
0x17: {  	s4 =	simm.s32 $0x1BF5;
	[smem:$0x3FA7] =	sst s0  }
0x18: {  	s0 =	sld [smem:$0x3F8A];
	_ =	swait.ge [sflag:s4], $0x0  }
0x19: {  	s7 =	sld [smem:$0x3F8B]  }
0x1a: {  	s8 =	sadd.s32 $0xFFFFE003, lr  }
0x1b: {  	s9 =	sadd.s32 $0xFFFFFEF7, lr;
	s5 =	simm.s32 $0xFFFFFFFF;
	p2 =	slt.u32 s8, $0xFFFFF086  }
0x1c: {  	p1 =	slt.u32 s9, $0xF7A;
	s5 =	simm.s32 @!p2 $0x0  }
0x1d: {  	s5 =	simm.s32 @p1 $0x1;
	p0 =	seq.s32 s7, s2  }
0x1e: {  	s7 =	smul.u32 @!p0 $0xF7A, s2;
	p2 =	seq.s32 @!p0 s5, $0x0  }
0x1f: {  	s9 =	smul.u32 $0xF7A, s1;
	s8 =	simm.s32 @!p0 $0x1BF5;
	p2 =	por !p2, p0  }
0x20: {  	[sflag:s8] =	ssyncset.s32 @!p0 $0xFFFFF086;
	s6 =	sadd.s32 @!p0 s3, s7;
	s7 =	simm.s32 @!p0 $0x108  }
0x21: {  	s3 =	sadd.s32 s3, s9;
	s6 =	sadd.s32 @!p0 $0x88, s6;
	s7 =	simm.s32 @p2 $0x1082  }
0x22: {  	[simem:s7], [sflag:s8] =	dma.local @!p0 [hbm:s6], $0xF7A  }
0x23: {  	s9 =	sor.u32 $0xD0000000, s2;
	s6 =	simm.s32 $0x108;
	_ =	swait.ge @!p0 [sflag:s8], $0x0  }
0x24: {  	s3 =	sadd.s32 $0x88, s3;
	s6 =	simm.s32 @!p1 $0x1082;
	[sflag:s4] =	ssyncset.s32 $0xFFFFF086  }
0x25: {  	[simem:s6], [sflag:s4] =	dma.local [hbm:s3], $0xF7A  }
0x26: {  	[smem:$0x3F8B] =	sst s1;
	(tag) =	ssettag s2;
	_ =	strace s9  }
0x27: {  	s1 =	sld [smem:$0x3F9B]  }
0x28: {  	s2 =	sld [smem:$0x3F9C]  }
0x29: {  	s4 =	sld [smem:$0x3F9E]  }
0x2a: {  	p0 =	seq.s32 s5, $0x0;
	s5 =	sld [smem:$0x3F9F]  }
0x2b: {  	s6 =	sld [smem:$0x3FA0]  }
0x2c: {  	s7 =	sld [smem:$0x3FA1]  }
0x2d: {  	s3 =	simm.s32 $0x108;
	s8 =	sld [smem:$0x3FA2]  }
0x2e: {  	s3 =	simm.s32 @!p0 $0x1082;
	s9 =	sld [smem:$0x3FA3]  }
0x2f: {  	lr =	sadd.s32 s0, s3;
	s0 =	sld [smem:$0x3F9A]  }
0x30: {  	s3 =	sld [smem:$0x3F9D]  }
0x31: {  	[smem:$0x3FA6] =	sst s10  }
0x32: {  	s10 =	sld [smem:$0x3FA4];
	_ =	sdelay $0x3  }
0x33: {  	p0 =	seq.s32 s10, $0x1;
	s10 =	sld [smem:$0x3FA6];
	_ =	sdelay $0x3  }
0x34: {  	[smem:$0x3FA6] =	sst s10  }
0x35: {  	s10 =	sld [smem:$0x3FA5];
	_ =	sdelay $0x3  }
0x36: {  	p1 =	seq.s32 s10, $0x1;
	s10 =	sld [smem:$0x3FA6];
	_ =	sdelay $0x3  }
0x37: {  	[smem:$0x3FA6] =	sst s10  }
0x38: {  	s10 =	sld [smem:$0x3FA7]  }
0x39: {  	_ = 	snop;
	(pc) =	sbr.ind lr, $3  }
0x3a: {  	_ = 	snop  }
0x3b: {  	_ = 	snop  }
0x3c: {  	p2 =	seq.s32 s10, $0x1;
	s10 =	sld [smem:$0x3FA6]  }
0x3d: {  	_ =	shalt  }
0x3e: {  	_ =	shalt  }
0x3f: {  	_ =	shalt  }
0x40: {  	_ =	shalt  }
0x41: {  	_ =	shalt  }
0x42: {  	_ =	shalt  }
0x43: {  	_ =	shalt  }
0x44: {  	_ =	shalt  }
0x45: {  	_ =	shalt  }
0x46: {  	_ =	shalt  }
0x47: {  	_ =	shalt  }
0x48: {  	_ =	shalt  }
0x49: {  	_ =	shalt  }
0x4a: {  	_ =	shalt  }
0x4b: {  	_ =	shalt  }
0x4c: {  	_ =	shalt  }
0x4d: {  	_ =	shalt  }
0x4e: {  	_ =	shalt  }
0x4f: {  	_ =	shalt  }
0x50: {  	_ =	shalt  }
0x51: {  	_ =	shalt  }
0x52: {  	_ =	shalt  }
0x53: {  	_ =	shalt  }
0x54: {  	_ =	shalt  }
0x55: {  	_ =	shalt  }
0x56: {  	_ =	shalt  }
0x57: {  	_ =	shalt  }
0x58: {  	_ =	shalt  }
0x59: {  	_ =	shalt  }
0x5a: {  	_ =	shalt  }
0x5b: {  	_ =	shalt  }
0x5c: {  	_ =	shalt  }
0x5d: {  	_ =	shalt  }
0x5e: {  	_ =	shalt  }
0x5f: {  	_ =	shalt  }
0x60: {  	_ =	shalt  }
0x61: {  	_ =	shalt  }
0x62: {  	_ =	shalt  }
0x63: {  	_ =	shalt  }
0x64: {  	_ =	shalt  }
0x65: {  	_ =	shalt  }
0x66: {  	_ =	shalt  }
0x67: {  	_ =	shalt  }
0x68: {  	_ =	shalt  }
0x69: {  	_ =	shalt  }
0x6a: {  	_ =	shalt  }
0x6b: {  	_ =	shalt  }
0x6c: {  	_ =	shalt  }
0x6d: {  	_ =	shalt  }
0x6e: {  	_ =	shalt  }
0x6f: {  	_ =	shalt  }
0x70: {  	_ =	shalt  }
0x71: {  	_ =	shalt  }
0x72: {  	_ =	shalt  }
0x73: {  	_ =	shalt  }
0x74: {  	_ =	shalt  }
0x75: {  	_ =	shalt  }
0x76: {  	_ =	shalt  }
0x77: {  	_ =	shalt  }
0x78: {  	_ =	shalt  }
0x79: {  	_ =	shalt  }
0x7a: {  	_ =	shalt  }
0x7b: {  	_ =	shalt  }
0x7c: {  	_ =	shalt  }
0x7d: {  	_ =	shalt  }
0x7e: {  	_ =	shalt  }
0x7f: {  	_ =	shalt  }
0x80: {  	_ =	shalt  }
0x81: {  	_ =	shalt  }
0x82: {  	_ =	shalt  }
0x83: {  	_ =	shalt  }
0x84: {  	_ =	shalt  }
0x85: {  	_ =	shalt  }
0x86: {  	_ =	shalt  }
0x87: {  	_ =	shalt  }
.Lfunc_end0:
.L_simem_size_0:
called_computation.1_lowered:
.L_overlay_start_0:
0x88: {  	s2 =	sld [smem:$0x3FD9]  }
0x89: {  	s3 =	sld [smem:$0x3FFE];
	_ =	sdelay $0x1  }
0x8a: {  	s1 =	srdreg.scid  }
0x8b: {  	s0 =	sand.u32 $0x1, s1  }
0x8c: {  	s16 =	sshll.u32 s0, $0xA;
	s2 =	sadd.s32 s3, s2  }
0x8d: {  	s2 =	sadd.s32 s2, s16  }
0x8e: {  	[smem:$0x3FB2] =	sst s2  }
0x8f: {  	_ = 	snop  }
0x90: {  	(tm) =	ssettm $0x1  }
0x91: {  	s17 =	sld [smem:$0x3FFB];
	_ =	sdelay $0x3  }
0x92: {  	_ =	strace s17  }
0x93: {  	s2 =	sld [smem:$0x3FFC];
	_ =	sdelay $0x3  }
0x94: {  	_ =	strace s2  }
0x95: {  	s2 =	sld [smem:$0x3FFD];
	_ =	sdelay $0x3  }
0x96: {  	_ =	strace s2  }
0x97: {  	_ =	strace $0x8FFFFFFF  }
0x98: {  	s18 =	sld [smem:$0x3FDB];
	_ =	sdelay $0x1  }
0x99: {  	s19 =	simm.s32 $_scs_section_size  }
0x9a: {  	s4 =	simm.s32 $_size__tile_overlayer_lowered;
	s5 =	simm.s32 $_tile_overlayer_lowered  }
0x9b: {  	s22 =	simm.s32 $0x1BFF;
	s21 =	sshll.u32 s5, $0x1;
	s2 =	sadd.s32 s19, s18  }
0x9c: {  	s6 =	simm.s32 $0x0;
	s20 =	sshll.u32 s4, $0x1;
	s4 =	sadd.s32 s21, s2  }
0x9d: {  	[timem:s6], [sflag:s22] =	dma.local [hbm:s4], s20  }
0x9e: {  	_ =	swait.ge [sflag:s22], s20  }
0x9f: {  	s3 =	ssub.s32 $0x0, s20;
	[sflag:s22] =	ssyncset.done $0x0  }
0xa0: {  	[sflag:s22] =	ssyncadd.s32 s3;
	_ =	sdelay $0x1  }
0xa1: {  	s23 =	simm.s32 $0x1B8B  }
0xa2: {  	_ =	swait.ge [sflag:s23], $0x1  }
0xa3: {  	[sflag:s23] =	ssyncset.done $0x0  }
0xa4: {  	s25 =	simm.s32 $0x1B8E;
	s24 =	sld [smem:$0x3FFE];
	[sflag:s23] =	ssyncadd.s32 $0xFFFFFFFF  }
0xa5: {  	s26 =	simm.s32 $execute0_lowered;
	[smem:$0x3FD2] =	sst s25  }
0xa6: {  	s4 =	sshll.u32 s26, $0x1;
	_ =	strace $0x80000049;
	[dreg:$0x1] =	wrdreg $0xFFFFFFFF  }
0xa7: {  	s28 =	simm.s32 $_size_execute0_lowered;
	s2 =	sadd.s32 s2, s4;
	[dreg:$0x0] =	wrdreg $0x0  }
0xa8: {  	s4 =	sshll.u32 s28, $0x1;
	[dreg:$0x2] =	wrdreg s2  }
0xa9: {  	[dreg:$0x3] =	wrdreg s4  }
0xaa: {  	[dreg:$0x4] =	wrdreg $0xC0  }
0xab: {  	_ =	task [dreg:s6], $0x5FFFF  }
0xac: {  	[dreg:$0x1] =	wrdreg $0xFFFFFFFF  }
0xad: {  	[dreg:$0x0] =	wrdreg $0x60  }
0xae: {  	[dreg:$0x2] =	wrdreg s24  }
0xaf: {  	[dreg:$0x3] =	wrdreg $0x0  }
0xb0: {  	[dreg:$0x4] =	wrdreg $0x9  }
0xb1: {  	_ =	task.clear_ibuf [dreg:s6], $0x5FFFF;
	_ =	strace $0x90000049  }
0xb2: {  	s29 =	simm.s32 $0x9;
	_ =	strace $0x8000004B  }
0xb3: {  	_ =	swait.ge [sflag:s29], $0x1  }
0xb4: {  	[sflag:s29] =	ssyncadd.s32 $0xFFFFFFFF  }
0xb5: {  	_ =	strace $0x9000004B  }
0xb6: {  	_ =	sfence  }
0xb7: {  	s30 =	sld [smem:$0x0];
	_ =	sdelay $0x2  }
0xb8: {  	s31 =	sshll.u32 s1, $0xD;
	s1 =	sshrl.u32 s1, $0x2  }
0xb9: {  	s3 =	sand.u32 $0x4000, s31;
	s1 =	sadd.s32 s1, s30  }
0xba: {  	s0 =	sor.u32 s3, s0;
	s1 =	sshll.u32 s1, $0x11  }
0xbb: {  	s0 =	sor.u32 s1, s0  }
0xbc: {  	s0 =	sadd.s32 $0x8F2B, s0  }
0xbd: {  	[sflag:s0] =	ssyncadd.remote.s32 $0x1  }
0xbe: {  	_ =	sfence.sel $0xFFFF  }
0xbf: {  	[dreg:$0x0] =	wrdreg $0xFFFFFFFF;
	(pc) =	sbr.abs _section_cstart, $3  }
0xc0: {  	[dreg:$0x1] =	wrdreg $0xFFFFFFFF  }
0xc1: {  	_ =	task.clear_ibuf [dreg:s6], $0x2FFFF;
	_ =	strace $0x9FFFFFFF  }
0xc2: {  	(tm) =	ssettm $0x7FFFFFFF  }
0xc3: {  	_ =	shalt  }
tec
execute0_lowered:
.L_overlay_start_1:
0x0: {  	(tag) =	ssettag $0x1  }
0x1: {  	s0 =	stileid.u32;
	s5 =	rddreg [dreg:$0x0]  }
0x2: {  	s1 =	srdreg.scid;
	s2 =	rddreg [dreg:$0x1]  }
0x3: {  	s15 =	simm.s32 $0x50;
	s16 =	simm.s32 $0x1AAC0;
	s17 =	simm.s32 $0x1D2C0  }
0x4: {  	s18 =	simm.s32 $0x1;
	s19 =	simm.s32 $0x2;
	s3 =	smul.u32 $0x46, s0  }
0x5: {  	s6 =	sand.u32 $0x1, s1;
	s4 =	smul.u32 $0xB6, s0;
	s1 =	rddreg [dreg:$0x2]  }
0x6: {  	s8 =	smul.u32 $0x13900, s0;
	s31 =	sshll.u32 s0, $0x6;
	p0 =	seq.s32 s6, $0x0  }
0x7: {  	s9 =	smul.u32 $0x27200, s6;
	s6 =	ssub.s32 $0x2, s6;
	s7 =	sadd.s32 $0xB60, s3  }
0x8: {  	s3 =	simm.s32 $0x0;
	s20 =	sshrl.u32 s8, $0x3;
	s30 =	sshrl.u32 s6, $0x1  }
0x9: {  	s14 =	sadd.s32 s8, s2;
	s8 =	simm.s32 $0x5A;
	s7 =	smov.u32 @p0 s4  }
0xa: {  	[smem:$0x7FF] =	sst s3;
	s4 =	sadd.s32 $0x3C00, s5;
	s11 =	sadd.s32 s20, s5  }
0xb: {  	s12 =	sadd.s32 s9, s5;
	s13 =	ssub.s32 s6, s30;
	s6 =	sor.u32 $0x1C03, s31  }
0xc: {  	s8 =	simm.s32 @!p0 $0x22;
	s7 =	smul.u32 $0xA, s7;
	s21 =	sadd.s32 $0x52000, s12  }
0xd: {  	_ =	strace $0x8000004A;
	s12 =	simm.s32 $0x3;
	s20 =	sadd.s32 s20, s21  }
0xe: {  	s21 =	simm.s32 $0x0;
	s10 =	sadd.s32 s7, s5;
	s5 =	sadd.s32 $0x2AE00, s11  }
0xf: {  	s11 =	sshrl.u32 s14, $0x3;
	s14 =	simm.s32 $0x171E0;
	s7 =	sadd.s32 $0xD2000, s10  }
0x10: {  	s9 =	sadd.s32 $0xC7E00, s10;
	s10 =	smax.u32 s13, $0x1;
	s13 =	simm.s32 $0x13900  }
.LBB2_1:
0x11: {  	[spmem:s11], [sflag:s6] =	dma.local [hbm:s5], $0x2720  }
0x12: {  	_ =	swait.ge [sflag:s12], $0x2720  }
0x13: {  	[sflag:s12] =	ssyncset.done $0x0  }
0x14: {  	[sflag:s12] =	ssyncadd.s32 $0xFFFFD8E0  }
0x15: {  	[tilespmem:s13], [sflag:$0x3] =	stream.linear.gather [hbm4b:s7+s3], $0x38E0, $0x38;
	[tilespmem:$0x1FAC0] =	vst v63  }
0x16: {  	_ =	swait.ge [sflag:s12], $0x38E0  }
0x17: {  	[sflag:s12] =	ssyncset.done $0x0  }
0x18: {  	[sflag:s12] =	ssyncadd.s32 $0xFFFFC720  }
0x19: {  	[tilespmem:s14], [sflag:$0x3] =	stream.linear.gather [hbm4b:s9+s3], $0x38E0, $0x38;
	[tilespmem:$0x1FAC0] =	vst v63  }
0x1a: {  	_ =	swait.ge [sflag:s12], $0x38E0  }
0x1b: {  	[sflag:s12] =	ssyncset.done $0x0  }
0x1c: {  	[sflag:s12] =	ssyncadd.s32 $0xFFFFC720  }
0x1d: {  	[bflag:$0x0] =	sbarrier.arrive $0xFFFF  }
0x1e: {  	[tilespmem:s16], [sflag:$0x1] =	stream.indirect.gather [hbm4b:s4+s15], $0x80, s13, s15, $0xb8;
	[tilespmem:$0x1FAC0] =	vst v63  }
0x1f: {  	s22 =	simm.s32 $0x13950  }
0x20: {  	[tilespmem:s17], [sflag:$0x2] =	stream.indirect.gather [hbm4b:s4+s15], $0x80, s22, s15, $0xb8;
	[tilespmem:$0x1FAC0] =	vst v63  }
0x21: {  	_ =	swait.ge [sflag:s18], $0x2800  }
0x22: {  	[sflag:s18] =	ssyncset.done $0x0  }
0x23: {  	s30 =	simm.s32 $0x171E0;
	[sflag:s18] =	ssyncadd.s32 $0xFFFFD800  }
0x24: {  	[spmem:s2] =	stream.indirect.scatter.add.f32 [tilespmem:s16], [sflag:$0x3], $0x80, s30, s15, $0xb8;
	[tilespmem:$0x1FAC0] =	vst v63  }
0x25: {  	_ =	swait.ge [sflag:s12], $0x2800  }
0x26: {  	[sflag:s12] =	ssyncset.done $0x0  }
0x27: {  	s31 =	simm.s32 $0x139A0;
	[sflag:s12] =	ssyncadd.s32 $0xFFFFD800  }
0x28: {  	[tilespmem:s16], [sflag:$0x1] =	stream.indirect.gather [hbm4b:s4+s15], $0x80, s31, s15, $0xb8;
	[tilespmem:$0x1FAC0] =	vst v63  }
0x29: {  	p0 =	sne.s32 s8, $0x1;
	_ =	swait.ge [sflag:s19], $0x2800  }
.Ltmp0:
0x2a: {  	[sflag:s19] =	ssyncset.done $0x0;
	(pc) =	sbr.rel @!p0 .LBB2_3-.Ltmp0, $4  }
0x2b: {  	s22 =	simm.s32 $0x17230;
	[sflag:s19] =	ssyncadd.s32 $0xFFFFD800  }
0x2c: {  	[spmem:s2] =	stream.indirect.scatter.add.f32 [tilespmem:s17], [sflag:$0x3], $0x80, s22, s15, $0xb8;
	[tilespmem:$0x1FAC0] =	vst v63  }
0x2d: {  	s23 =	simm.s32 $0x1;
	_ =	swait.ge [sflag:s12], $0x2800  }
0x2e: {  	s25 =	simm.s32 $0x139F0;
	s24 =	simm.s32 $0x17230;
	[sflag:s12] =	ssyncset.done $0x0  }
.LBB2_2:
0x2f: {  	s24 =	smov.u32 s22  }
0x30: {  	s23 =	sadd.s32 $0x1, s23;
	s22 =	sadd.s32 $0xA0, s22;
	[sflag:s12] =	ssyncadd.s32 $0xFFFFD800  }
0x31: {  	[tilespmem:s17], [sflag:$0x2] =	stream.indirect.gather [hbm4b:s4+s15], $0x80, s25, s15, $0xb8;
	[tilespmem:$0x1FAC0] =	vst v63  }
0x32: {  	p0 =	sne.s32 s8, s23;
	_ =	swait.ge [sflag:s18], $0x2800  }
0x33: {  	[sflag:s18] =	ssyncset.done $0x0  }
0x34: {  	s26 =	sadd.s32 $0xFFFFFFB0, s22;
	[sflag:s18] =	ssyncadd.s32 $0xFFFFD800  }
0x35: {  	[spmem:s2] =	stream.indirect.scatter.add.f32 [tilespmem:s16], [sflag:$0x3], $0x80, s26, s15, $0xb8;
	[tilespmem:$0x1FAC0] =	vst v63  }
0x36: {  	_ =	swait.ge [sflag:s12], $0x2800  }
0x37: {  	[sflag:s12] =	ssyncset.done $0x0  }
0x38: {  	s26 =	sadd.s32 $0x50, s25;
	[sflag:s12] =	ssyncadd.s32 $0xFFFFD800  }
0x39: {  	[tilespmem:s16], [sflag:$0x1] =	stream.indirect.gather [hbm4b:s4+s15], $0x80, s26, s15, $0xb8;
	[tilespmem:$0x1FAC0] =	vst v63  }
0x3a: {  	_ =	swait.ge [sflag:s19], $0x2800  }
.Ltmp1:
0x3b: {  	[sflag:s19] =	ssyncset.done $0x0;
	(pc) =	sbr.rel @p0 .LBB2_2-.Ltmp1, $4  }
0x3c: {  	[sflag:s19] =	ssyncadd.s32 $0xFFFFD800  }
0x3d: {  	[spmem:s2] =	stream.indirect.scatter.add.f32 [tilespmem:s17], [sflag:$0x3], $0x80, s22, s15, $0xb8;
	[tilespmem:$0x1FAC0] =	vst v63  }
0x3e: {  	_ =	swait.ge [sflag:s12], $0x2800  }
0x3f: {  	s25 =	sadd.s32 $0xA0, s25;
	[sflag:s12] =	ssyncset.done $0x0  }
.LBB2_3:
0x40: {  	[sflag:s12] =	ssyncadd.s32 $0xFFFFD800  }
0x41: {  	[tilespmem:s17], [sflag:$0x2] =	stream.indirect.gather [hbm4b:s4+s15], $0x80, s25, s15, $0xb8;
	[tilespmem:$0x1FAC0] =	vst v63  }
0x42: {  	_ =	swait.ge [sflag:s18], $0x2800  }
0x43: {  	[sflag:s18] =	ssyncset.done $0x0  }
0x44: {  	s23 =	sadd.s32 $0x50, s24;
	[sflag:s18] =	ssyncadd.s32 $0xFFFFD800  }
0x45: {  	[spmem:s2] =	stream.indirect.scatter.add.f32 [tilespmem:s16], [sflag:$0x3], $0x80, s23, s15, $0xb8;
	[tilespmem:$0x1FAC0] =	vst v63  }
0x46: {  	_ =	swait.ge [sflag:s12], $0x2800  }
0x47: {  	[sflag:s12] =	ssyncset.done $0x0  }
0x48: {  	[sflag:s12] =	ssyncadd.s32 $0xFFFFD800  }
0x49: {  	_ =	swait.ge [sflag:s19], $0x2800  }
0x4a: {  	[sflag:s19] =	ssyncset.done $0x0  }
0x4b: {  	s22 =	sadd.s32 $0xA0, s22;
	[sflag:s19] =	ssyncadd.s32 $0xFFFFD800  }
0x4c: {  	[spmem:s2] =	stream.indirect.scatter.add.f32 [tilespmem:s17], [sflag:$0x3], $0x80, s22, s15, $0xb8;
	[tilespmem:$0x1FAC0] =	vst v63  }
0x4d: {  	_ =	swait.ge [sflag:s12], $0x2800  }
0x4e: {  	s21 =	sadd.s32 $0x1, s21;
	[sflag:s12] =	ssyncset.done $0x0  }
0x4f: {  	p0 =	sne.s32 s21, s10;
	[sflag:s12] =	ssyncadd.s32 $0xFFFFD800  }
.Ltmp2:
0x50: {  	[bflag:$0x0] =	sbarrier.arrive $0xFFFF;
	(pc) =	sbr.rel @p0 .LBB2_1-.Ltmp2, $4  }
0x51: {  	[hbm:s20], [sflag:s6] =	dma.local [spmem:s11], $0x2720  }
0x52: {  	_ =	swait.ge [sflag:s12], $0x2720  }
0x53: {  	[sflag:s12] =	ssyncset.done $0x0  }
0x54: {  	[sflag:s12] =	ssyncadd.s32 $0xFFFFD8E0  }
0x55: {  	_ =	sfence.sel $0x180000  }
0x56: {  	[bflag:$0x0] =	sbarrier.arrive $0xFFFF  }
0x57: {  	p0 =	sne.s32 s0, $0x0;
	_ =	strace $0x9000004A  }
0x58: {  	s0 =	sadd.s32 @!p0 $0x100000, s1;
	[bflag:$0x2] =	sbarrier.arrive $0xFFFF  }
0x59: {  	[sflag:s0] =	ssyncadd.tile.s32 @!p0 $0x1;
	_ =	shalt  }
.Lfunc_end2:
_tile_overlayer_lowered:
.L_overlay_start_2:
0x5a: {  	(tag) =	ssettag $0x2  }
0x5b: {  	s0 =	rddreg [dreg:$0x0];
	s2 =	stileid.u32  }
0x5c: {  	s1 =	rddreg [dreg:$0x1];
	p0 =	sne.s32 s2, $0x0  }
0x5d: {  	s3 =	rddreg [dreg:$0x2];
	[bflag:$0x3] =	sbarrier.arrive $0xFFFF;
	s2 =	simm.s32 @!p0 $0x1C03  }
0x5e: {  	[timem:s3], [sflag:s2] =	dma.local @!p0 [hbm:s0], s1  }
0x5f: {  	s0 =	simm.s32 @!p0 $0x3  }
0x60: {  	_ =	swait.ge @!p0 [sflag:s0], s1  }
0x61: {  	s1 =	ssub.s32 @!p0 $0x0, s1;
	[sflag:s0] =	ssyncset.done @!p0 $0x0  }
0x62: {  	[sflag:s0] =	ssyncadd.s32 @!p0 s1  }
0x63: {  	[bflag:$0x3] =	sbarrier.arrive $0xFFFF  }
0x64: {  	_ =	shalt  }

// kernel: kernel.14.cloned.1.call-start
scs
__scs_entry_jumppad:
0x0: {  	(pc) =	sbr.rel $0x88, $3  }
0x1: {  	(tag) =	ssettag $0x0;
	lr =	simm.s32 $0x1  }
0x2: {  	[smem:$0x3F8B] =	sst lr;
	_ =	strace $0xD0000000  }
0x3: {  	_ = 	snop  }
0x4: {  	_ = 	snop  }
0x5: {  	_ = 	snop  }
0x6: {  	_ = 	snop  }
0x7: {  	_ = 	snop  }
__scs_overlays_trampoline_lowered:
0x8: {  	[smem:$0x3F9A] =	sst s0  }
0x9: {  	[smem:$0x3F9B] =	sst s1  }
0xa: {  	[smem:$0x3F9C] =	sst s2  }
0xb: {  	[smem:$0x3F9D] =	sst s3  }
0xc: {  	[smem:$0x3F9E] =	sst s4  }
0xd: {  	[smem:$0x3F9F] =	sst s5  }
0xe: {  	[smem:$0x3FA0] =	sst s6  }
0xf: {  	[smem:$0x3FA1] =	sst s7  }
0x10: {  	[smem:$0x3FA2] =	sst s8  }
0x11: {  	[smem:$0x3FA3] =	sst s9;
	s0 =	simm.s32 @!p0 $0x0  }
0x12: {  	s1 =	sld [smem:$0x3F89];
	s0 =	simm.s32 @p0 $0x1  }
0x13: {  	[smem:$0x3FA4] =	sst s0;
	s0 =	simm.s32 @!p1 $0x0  }
0x14: {  	s2 =	sld [smem:$0x3F88];
	s0 =	simm.s32 @p1 $0x1  }
0x15: {  	[smem:$0x3FA5] =	sst s0;
	s0 =	simm.s32 @!p2 $0x0  }
0x16: {  	s3 =	sld [smem:$0x3FDB];
	s0 =	simm.s32 @p2 $0x1  }
0x17: {  	s4 =	simm.s32 $0x1BF5;
	[smem:$0x3FA7] =	sst s0  }
0x18: {  	s0 =	sld [smem:$0x3F8A];
	_ =	swait.ge [sflag:s4], $0x0  }
0x19: {  	s7 =	sld [smem:$0x3F8B]  }
0x1a: {  	s8 =	sadd.s32 $0xFFFFE003, lr  }
0x1b: {  	s9 =	sadd.s32 $0xFFFFFEF7, lr;
	s5 =	simm.s32 $0xFFFFFFFF;
	p2 =	slt.u32 s8, $0xFFFFF086  }
0x1c: {  	p1 =	slt.u32 s9, $0xF7A;
	s5 =	simm.s32 @!p2 $0x0  }
0x1d: {  	s5 =	simm.s32 @p1 $0x1;
	p0 =	seq.s32 s7, s2  }
0x1e: {  	s7 =	smul.u32 @!p0 $0xF7A, s2;
	p2 =	seq.s32 @!p0 s5, $0x0  }
0x1f: {  	s9 =	smul.u32 $0xF7A, s1;
	s8 =	simm.s32 @!p0 $0x1BF5;
	p2 =	por !p2, p0  }
0x20: {  	[sflag:s8] =	ssyncset.s32 @!p0 $0xFFFFF086;
	s6 =	sadd.s32 @!p0 s3, s7;
	s7 =	simm.s32 @!p0 $0x108  }
0x21: {  	s3 =	sadd.s32 s3, s9;
	s6 =	sadd.s32 @!p0 $0x88, s6;
	s7 =	simm.s32 @p2 $0x1082  }
0x22: {  	[simem:s7], [sflag:s8] =	dma.local @!p0 [hbm:s6], $0xF7A  }
0x23: {  	s9 =	sor.u32 $0xD0000000, s2;
	s6 =	simm.s32 $0x108;
	_ =	swait.ge @!p0 [sflag:s8], $0x0  }
0x24: {  	s3 =	sadd.s32 $0x88, s3;
	s6 =	simm.s32 @!p1 $0x1082;
	[sflag:s4] =	ssyncset.s32 $0xFFFFF086  }
0x25: {  	[simem:s6], [sflag:s4] =	dma.local [hbm:s3], $0xF7A  }
0x26: {  	[smem:$0x3F8B] =	sst s1;
	(tag) =	ssettag s2;
	_ =	strace s9  }
0x27: {  	s1 =	sld [smem:$0x3F9B]  }
0x28: {  	s2 =	sld [smem:$0x3F9C]  }
0x29: {  	s4 =	sld [smem:$0x3F9E]  }
0x2a: {  	p0 =	seq.s32 s5, $0x0;
	s5 =	sld [smem:$0x3F9F]  }
0x2b: {  	s6 =	sld [smem:$0x3FA0]  }
0x2c: {  	s7 =	sld [smem:$0x3FA1]  }
0x2d: {  	s3 =	simm.s32 $0x108;
	s8 =	sld [smem:$0x3FA2]  }
0x2e: {  	s3 =	simm.s32 @!p0 $0x1082;
	s9 =	sld [smem:$0x3FA3]  }
0x2f: {  	lr =	sadd.s32 s0, s3;
	s0 =	sld [smem:$0x3F9A]  }
0x30: {  	s3 =	sld [smem:$0x3F9D]  }
0x31: {  	[smem:$0x3FA6] =	sst s10  }
0x32: {  	s10 =	sld [smem:$0x3FA4];
	_ =	sdelay $0x3  }
0x33: {  	p0 =	seq.s32 s10, $0x1;
	s10 =	sld [smem:$0x3FA6];
	_ =	sdelay $0x3  }
0x34: {  	[smem:$0x3FA6] =	sst s10  }
0x35: {  	s10 =	sld [smem:$0x3FA5];
	_ =	sdelay $0x3  }
0x36: {  	p1 =	seq.s32 s10, $0x1;
	s10 =	sld [smem:$0x3FA6];
	_ =	sdelay $0x3  }
0x37: {  	[smem:$0x3FA6] =	sst s10  }
0x38: {  	s10 =	sld [smem:$0x3FA7]  }
0x39: {  	_ = 	snop;
	(pc) =	sbr.ind lr, $3  }
0x3a: {  	_ = 	snop  }
0x3b: {  	_ = 	snop  }
0x3c: {  	p2 =	seq.s32 s10, $0x1;
	s10 =	sld [smem:$0x3FA6]  }
0x3d: {  	_ =	shalt  }
0x3e: {  	_ =	shalt  }
0x3f: {  	_ =	shalt  }
0x40: {  	_ =	shalt  }
0x41: {  	_ =	shalt  }
0x42: {  	_ =	shalt  }
0x43: {  	_ =	shalt  }
0x44: {  	_ =	shalt  }
0x45: {  	_ =	shalt  }
0x46: {  	_ =	shalt  }
0x47: {  	_ =	shalt  }
0x48: {  	_ =	shalt  }
0x49: {  	_ =	shalt  }
0x4a: {  	_ =	shalt  }
0x4b: {  	_ =	shalt  }
0x4c: {  	_ =	shalt  }
0x4d: {  	_ =	shalt  }
0x4e: {  	_ =	shalt  }
0x4f: {  	_ =	shalt  }
0x50: {  	_ =	shalt  }
0x51: {  	_ =	shalt  }
0x52: {  	_ =	shalt  }
0x53: {  	_ =	shalt  }
0x54: {  	_ =	shalt  }
0x55: {  	_ =	shalt  }
0x56: {  	_ =	shalt  }
0x57: {  	_ =	shalt  }
0x58: {  	_ =	shalt  }
0x59: {  	_ =	shalt  }
0x5a: {  	_ =	shalt  }
0x5b: {  	_ =	shalt  }
0x5c: {  	_ =	shalt  }
0x5d: {  	_ =	shalt  }
0x5e: {  	_ =	shalt  }
0x5f: {  	_ =	shalt  }
0x60: {  	_ =	shalt  }
0x61: {  	_ =	shalt  }
0x62: {  	_ =	shalt  }
0x63: {  	_ =	shalt  }
0x64: {  	_ =	shalt  }
0x65: {  	_ =	shalt  }
0x66: {  	_ =	shalt  }
0x67: {  	_ =	shalt  }
0x68: {  	_ =	shalt  }
0x69: {  	_ =	shalt  }
0x6a: {  	_ =	shalt  }
0x6b: {  	_ =	shalt  }
0x6c: {  	_ =	shalt  }
0x6d: {  	_ =	shalt  }
0x6e: {  	_ =	shalt  }
0x6f: {  	_ =	shalt  }
0x70: {  	_ =	shalt  }
0x71: {  	_ =	shalt  }
0x72: {  	_ =	shalt  }
0x73: {  	_ =	shalt  }
0x74: {  	_ =	shalt  }
0x75: {  	_ =	shalt  }
0x76: {  	_ =	shalt  }
0x77: {  	_ =	shalt  }
0x78: {  	_ =	shalt  }
0x79: {  	_ =	shalt  }
0x7a: {  	_ =	shalt  }
0x7b: {  	_ =	shalt  }
0x7c: {  	_ =	shalt  }
0x7d: {  	_ =	shalt  }
0x7e: {  	_ =	shalt  }
0x7f: {  	_ =	shalt  }
0x80: {  	_ =	shalt  }
0x81: {  	_ =	shalt  }
0x82: {  	_ =	shalt  }
0x83: {  	_ =	shalt  }
0x84: {  	_ =	shalt  }
0x85: {  	_ =	shalt  }
0x86: {  	_ =	shalt  }
0x87: {  	_ =	shalt  }
.Lfunc_end0:
.L_simem_size_0:
called_computation.2_lowered:
.L_overlay_start_0:
0x88: {  	s2 =	sld [smem:$0x3FD9]  }
0x89: {  	s3 =	sld [smem:$0x3FFE];
	_ =	sdelay $0x1  }
0x8a: {  	s1 =	srdreg.scid  }
0x8b: {  	s0 =	sand.u32 $0x1, s1  }
0x8c: {  	s16 =	sshll.u32 s0, $0xA;
	s2 =	sadd.s32 s3, s2  }
0x8d: {  	s2 =	sadd.s32 s2, s16  }
0x8e: {  	[smem:$0x3FB2] =	sst s2  }
0x8f: {  	_ = 	snop  }
0x90: {  	(tm) =	ssettm $0x1  }
0x91: {  	s17 =	sld [smem:$0x3FFB];
	_ =	sdelay $0x3  }
0x92: {  	_ =	strace s17  }
0x93: {  	s2 =	sld [smem:$0x3FFC];
	_ =	sdelay $0x3  }
0x94: {  	_ =	strace s2  }
0x95: {  	s2 =	sld [smem:$0x3FFD];
	_ =	sdelay $0x3  }
0x96: {  	_ =	strace s2  }
0x97: {  	_ =	strace $0x8FFFFFFF  }
0x98: {  	s18 =	sld [smem:$0x3FDB];
	_ =	sdelay $0x1  }
0x99: {  	s19 =	simm.s32 $_scs_section_size  }
0x9a: {  	s4 =	simm.s32 $_size__tile_overlayer_lowered;
	s5 =	simm.s32 $_tile_overlayer_lowered  }
0x9b: {  	s22 =	simm.s32 $0x1BFF;
	s21 =	sshll.u32 s5, $0x1;
	s2 =	sadd.s32 s19, s18  }
0x9c: {  	s6 =	simm.s32 $0x0;
	s20 =	sshll.u32 s4, $0x1;
	s4 =	sadd.s32 s21, s2  }
0x9d: {  	[timem:s6], [sflag:s22] =	dma.local [hbm:s4], s20  }
0x9e: {  	_ =	swait.ge [sflag:s22], s20  }
0x9f: {  	s3 =	ssub.s32 $0x0, s20;
	[sflag:s22] =	ssyncset.done $0x0  }
0xa0: {  	[sflag:s22] =	ssyncadd.s32 s3;
	_ =	sdelay $0x1  }
0xa1: {  	s23 =	simm.s32 $0x1B8B  }
0xa2: {  	_ =	swait.ge [sflag:s23], $0x1  }
0xa3: {  	[sflag:s23] =	ssyncset.done $0x0  }
0xa4: {  	s25 =	simm.s32 $0x1B8E;
	s24 =	sld [smem:$0x3FFE];
	[sflag:s23] =	ssyncadd.s32 $0xFFFFFFFF  }
0xa5: {  	s26 =	simm.s32 $execute0_lowered;
	[smem:$0x3FD2] =	sst s25  }
0xa6: {  	s4 =	sshll.u32 s26, $0x1;
	_ =	strace $0x8000004C;
	[dreg:$0x1] =	wrdreg $0xFFFFFFFF  }
0xa7: {  	s28 =	simm.s32 $_size_execute0_lowered;
	s2 =	sadd.s32 s2, s4;
	[dreg:$0x0] =	wrdreg $0x0  }
0xa8: {  	s4 =	sshll.u32 s28, $0x1;
	[dreg:$0x2] =	wrdreg s2  }
0xa9: {  	[dreg:$0x3] =	wrdreg s4  }
0xaa: {  	[dreg:$0x4] =	wrdreg $0xC0  }
0xab: {  	_ =	task [dreg:s6], $0x5FFFF  }
0xac: {  	[dreg:$0x1] =	wrdreg $0xFFFFFFFF  }
0xad: {  	[dreg:$0x0] =	wrdreg $0x60  }
0xae: {  	[dreg:$0x2] =	wrdreg s24  }
0xaf: {  	[dreg:$0x3] =	wrdreg $0x0  }
0xb0: {  	[dreg:$0x4] =	wrdreg $0x9  }
0xb1: {  	_ =	task.clear_ibuf [dreg:s6], $0x5FFFF;
	_ =	strace $0x9000004C  }
0xb2: {  	s29 =	simm.s32 $0x9;
	_ =	strace $0x8000004E  }
0xb3: {  	_ =	swait.ge [sflag:s29], $0x1  }
0xb4: {  	[sflag:s29] =	ssyncadd.s32 $0xFFFFFFFF  }
0xb5: {  	_ =	strace $0x9000004E  }
0xb6: {  	_ =	sfence  }
0xb7: {  	s30 =	sld [smem:$0x0];
	_ =	sdelay $0x2  }
0xb8: {  	s31 =	sshll.u32 s1, $0xD;
	s1 =	sshrl.u32 s1, $0x2  }
0xb9: {  	s3 =	sand.u32 $0x4000, s31;
	s1 =	sadd.s32 s1, s30  }
0xba: {  	s0 =	sor.u32 s3, s0;
	s1 =	sshll.u32 s1, $0x11  }
0xbb: {  	s0 =	sor.u32 s1, s0  }
0xbc: {  	s0 =	sadd.s32 $0x8F2B, s0  }
0xbd: {  	[sflag:s0] =	ssyncadd.remote.s32 $0x1  }
0xbe: {  	_ =	sfence.sel $0xFFFF  }
0xbf: {  	[dreg:$0x0] =	wrdreg $0xFFFFFFFF;
	(pc) =	sbr.abs _section_cstart, $3  }
0xc0: {  	[dreg:$0x1] =	wrdreg $0xFFFFFFFF  }
0xc1: {  	_ =	task.clear_ibuf [dreg:s6], $0x2FFFF;
	_ =	strace $0x9FFFFFFF  }
0xc2: {  	(tm) =	ssettm $0x7FFFFFFF  }
0xc3: {  	_ =	shalt  }
tec
execute0_lowered:
.L_overlay_start_1:
0x0: {  	(tag) =	ssettag $0x1  }
0x1: {  	s0 =	stileid.u32;
	s5 =	rddreg [dreg:$0x0]  }
0x2: {  	s1 =	srdreg.scid;
	s2 =	rddreg [dreg:$0x1]  }
0x3: {  	s15 =	simm.s32 $0x50;
	s16 =	simm.s32 $0x1AAC0;
	s17 =	simm.s32 $0x1D2C0  }
0x4: {  	s18 =	simm.s32 $0x1;
	s19 =	simm.s32 $0x2;
	s3 =	smul.u32 $0x46, s0  }
0x5: {  	s6 =	sand.u32 $0x1, s1;
	s4 =	smul.u32 $0xB6, s0;
	s1 =	rddreg [dreg:$0x2]  }
0x6: {  	s8 =	smul.u32 $0x13900, s0;
	s31 =	sshll.u32 s0, $0x6;
	p0 =	seq.s32 s6, $0x0  }
0x7: {  	s9 =	smul.u32 $0x27200, s6;
	s6 =	ssub.s32 $0x2, s6;
	s7 =	sadd.s32 $0xB60, s3  }
0x8: {  	s3 =	simm.s32 $0x0;
	s20 =	sshrl.u32 s8, $0x3;
	s30 =	sshrl.u32 s6, $0x1  }
0x9: {  	s14 =	sadd.s32 s8, s2;
	s8 =	simm.s32 $0x5A;
	s7 =	smov.u32 @p0 s4  }
0xa: {  	[smem:$0x7FF] =	sst s3;
	s4 =	sadd.s32 $0x3C00, s5;
	s11 =	sadd.s32 s20, s5  }
0xb: {  	s12 =	sadd.s32 s9, s5;
	s13 =	ssub.s32 s6, s30;
	s6 =	sor.u32 $0x1C03, s31  }
0xc: {  	s8 =	simm.s32 @!p0 $0x22;
	s7 =	smul.u32 $0xA, s7;
	s21 =	sadd.s32 $0x52000, s12  }
0xd: {  	_ =	strace $0x8000004D;
	s12 =	simm.s32 $0x3;
	s20 =	sadd.s32 s20, s21  }
0xe: {  	s21 =	simm.s32 $0x0;
	s10 =	sadd.s32 s7, s5;
	s5 =	sadd.s32 $0x2AE00, s11  }
0xf: {  	s11 =	sshrl.u32 s14, $0x3;
	s14 =	simm.s32 $0x171E0;
	s7 =	sadd.s32 $0xD2000, s10  }
0x10: {  	s9 =	sadd.s32 $0xC7E00, s10;
	s10 =	smax.u32 s13, $0x1;
	s13 =	simm.s32 $0x13900  }
.LBB2_1:
0x11: {  	[spmem:s11], [sflag:s6] =	dma.local [hbm:s5], $0x2720  }
0x12: {  	_ =	swait.ge [sflag:s12], $0x2720  }
0x13: {  	[sflag:s12] =	ssyncset.done $0x0  }
0x14: {  	[sflag:s12] =	ssyncadd.s32 $0xFFFFD8E0  }
0x15: {  	[tilespmem:s13], [sflag:$0x3] =	stream.linear.gather [hbm4b:s7+s3], $0x38E0, $0x38;
	[tilespmem:$0x1FAC0] =	vst v63  }
0x16: {  	_ =	swait.ge [sflag:s12], $0x38E0  }
0x17: {  	[sflag:s12] =	ssyncset.done $0x0  }
0x18: {  	[sflag:s12] =	ssyncadd.s32 $0xFFFFC720  }
0x19: {  	[tilespmem:s14], [sflag:$0x3] =	stream.linear.gather [hbm4b:s9+s3], $0x38E0, $0x38;
	[tilespmem:$0x1FAC0] =	vst v63  }
0x1a: {  	_ =	swait.ge [sflag:s12], $0x38E0  }
0x1b: {  	[sflag:s12] =	ssyncset.done $0x0  }
0x1c: {  	[sflag:s12] =	ssyncadd.s32 $0xFFFFC720  }
0x1d: {  	[bflag:$0x0] =	sbarrier.arrive $0xFFFF  }
0x1e: {  	[tilespmem:s16], [sflag:$0x1] =	stream.indirect.gather [hbm4b:s4+s15], $0x80, s13, s15, $0xb8;
	[tilespmem:$0x1FAC0] =	vst v63  }
0x1f: {  	s22 =	simm.s32 $0x13950  }
0x20: {  	[tilespmem:s17], [sflag:$0x2] =	stream.indirect.gather [hbm4b:s4+s15], $0x80, s22, s15, $0xb8;
	[tilespmem:$0x1FAC0] =	vst v63  }
0x21: {  	_ =	swait.ge [sflag:s18], $0x2800  }
0x22: {  	[sflag:s18] =	ssyncset.done $0x0  }
0x23: {  	s30 =	simm.s32 $0x171E0;
	[sflag:s18] =	ssyncadd.s32 $0xFFFFD800  }
0x24: {  	[spmem:s2] =	stream.indirect.scatter.add.f32 [tilespmem:s16], [sflag:$0x3], $0x80, s30, s15, $0xb8;
	[tilespmem:$0x1FAC0] =	vst v63  }
0x25: {  	_ =	swait.ge [sflag:s12], $0x2800  }
0x26: {  	[sflag:s12] =	ssyncset.done $0x0  }
0x27: {  	s31 =	simm.s32 $0x139A0;
	[sflag:s12] =	ssyncadd.s32 $0xFFFFD800  }
0x28: {  	[tilespmem:s16], [sflag:$0x1] =	stream.indirect.gather [hbm4b:s4+s15], $0x80, s31, s15, $0xb8;
	[tilespmem:$0x1FAC0] =	vst v63  }
0x29: {  	p0 =	sne.s32 s8, $0x1;
	_ =	swait.ge [sflag:s19], $0x2800  }
.Ltmp0:
0x2a: {  	[sflag:s19] =	ssyncset.done $0x0;
	(pc) =	sbr.rel @!p0 .LBB2_3-.Ltmp0, $4  }
0x2b: {  	s22 =	simm.s32 $0x17230;
	[sflag:s19] =	ssyncadd.s32 $0xFFFFD800  }
0x2c: {  	[spmem:s2] =	stream.indirect.scatter.add.f32 [tilespmem:s17], [sflag:$0x3], $0x80, s22, s15, $0xb8;
	[tilespmem:$0x1FAC0] =	vst v63  }
0x2d: {  	s23 =	simm.s32 $0x1;
	_ =	swait.ge [sflag:s12], $0x2800  }
0x2e: {  	s25 =	simm.s32 $0x139F0;
	s24 =	simm.s32 $0x17230;
	[sflag:s12] =	ssyncset.done $0x0  }
.LBB2_2:
0x2f: {  	s24 =	smov.u32 s22  }
0x30: {  	s23 =	sadd.s32 $0x1, s23;
	s22 =	sadd.s32 $0xA0, s22;
	[sflag:s12] =	ssyncadd.s32 $0xFFFFD800  }
0x31: {  	[tilespmem:s17], [sflag:$0x2] =	stream.indirect.gather [hbm4b:s4+s15], $0x80, s25, s15, $0xb8;
	[tilespmem:$0x1FAC0] =	vst v63  }
0x32: {  	p0 =	sne.s32 s8, s23;
	_ =	swait.ge [sflag:s18], $0x2800  }
0x33: {  	[sflag:s18] =	ssyncset.done $0x0  }
0x34: {  	s26 =	sadd.s32 $0xFFFFFFB0, s22;
	[sflag:s18] =	ssyncadd.s32 $0xFFFFD800  }
0x35: {  	[spmem:s2] =	stream.indirect.scatter.add.f32 [tilespmem:s16], [sflag:$0x3], $0x80, s26, s15, $0xb8;
	[tilespmem:$0x1FAC0] =	vst v63  }
0x36: {  	_ =	swait.ge [sflag:s12], $0x2800  }
0x37: {  	[sflag:s12] =	ssyncset.done $0x0  }
0x38: {  	s26 =	sadd.s32 $0x50, s25;
	[sflag:s12] =	ssyncadd.s32 $0xFFFFD800  }
0x39: {  	[tilespmem:s16], [sflag:$0x1] =	stream.indirect.gather [hbm4b:s4+s15], $0x80, s26, s15, $0xb8;
	[tilespmem:$0x1FAC0] =	vst v63  }
0x3a: {  	_ =	swait.ge [sflag:s19], $0x2800  }
.Ltmp1:
0x3b: {  	[sflag:s19] =	ssyncset.done $0x0;
	(pc) =	sbr.rel @p0 .LBB2_2-.Ltmp1, $4  }
0x3c: {  	[sflag:s19] =	ssyncadd.s32 $0xFFFFD800  }
0x3d: {  	[spmem:s2] =	stream.indirect.scatter.add.f32 [tilespmem:s17], [sflag:$0x3], $0x80, s22, s15, $0xb8;
	[tilespmem:$0x1FAC0] =	vst v63  }
0x3e: {  	_ =	swait.ge [sflag:s12], $0x2800  }
0x3f: {  	s25 =	sadd.s32 $0xA0, s25;
	[sflag:s12] =	ssyncset.done $0x0  }
.LBB2_3:
0x40: {  	[sflag:s12] =	ssyncadd.s32 $0xFFFFD800  }
0x41: {  	[tilespmem:s17], [sflag:$0x2] =	stream.indirect.gather [hbm4b:s4+s15], $0x80, s25, s15, $0xb8;
	[tilespmem:$0x1FAC0] =	vst v63  }
0x42: {  	_ =	swait.ge [sflag:s18], $0x2800  }
0x43: {  	[sflag:s18] =	ssyncset.done $0x0  }
0x44: {  	s23 =	sadd.s32 $0x50, s24;
	[sflag:s18] =	ssyncadd.s32 $0xFFFFD800  }
0x45: {  	[spmem:s2] =	stream.indirect.scatter.add.f32 [tilespmem:s16], [sflag:$0x3], $0x80, s23, s15, $0xb8;
	[tilespmem:$0x1FAC0] =	vst v63  }
0x46: {  	_ =	swait.ge [sflag:s12], $0x2800  }
0x47: {  	[sflag:s12] =	ssyncset.done $0x0  }
0x48: {  	[sflag:s12] =	ssyncadd.s32 $0xFFFFD800  }
0x49: {  	_ =	swait.ge [sflag:s19], $0x2800  }
0x4a: {  	[sflag:s19] =	ssyncset.done $0x0  }
0x4b: {  	s22 =	sadd.s32 $0xA0, s22;
	[sflag:s19] =	ssyncadd.s32 $0xFFFFD800  }
0x4c: {  	[spmem:s2] =	stream.indirect.scatter.add.f32 [tilespmem:s17], [sflag:$0x3], $0x80, s22, s15, $0xb8;
	[tilespmem:$0x1FAC0] =	vst v63  }
0x4d: {  	_ =	swait.ge [sflag:s12], $0x2800  }
0x4e: {  	s21 =	sadd.s32 $0x1, s21;
	[sflag:s12] =	ssyncset.done $0x0  }
0x4f: {  	p0 =	sne.s32 s21, s10;
	[sflag:s12] =	ssyncadd.s32 $0xFFFFD800  }
.Ltmp2:
0x50: {  	[bflag:$0x0] =	sbarrier.arrive $0xFFFF;
	(pc) =	sbr.rel @p0 .LBB2_1-.Ltmp2, $4  }
0x51: {  	[hbm:s20], [sflag:s6] =	dma.local [spmem:s11], $0x2720  }
0x52: {  	_ =	swait.ge [sflag:s12], $0x2720  }
0x53: {  	[sflag:s12] =	ssyncset.done $0x0  }
0x54: {  	[sflag:s12] =	ssyncadd.s32 $0xFFFFD8E0  }
0x55: {  	_ =	sfence.sel $0x180000  }
0x56: {  	[bflag:$0x0] =	sbarrier.arrive $0xFFFF  }
0x57: {  	p0 =	sne.s32 s0, $0x0;
	_ =	strace $0x9000004D  }
0x58: {  	s0 =	sadd.s32 @!p0 $0x100000, s1;
	[bflag:$0x2] =	sbarrier.arrive $0xFFFF  }
0x59: {  	[sflag:s0] =	ssyncadd.tile.s32 @!p0 $0x1;
	_ =	shalt  }
.Lfunc_end2:
_tile_overlayer_lowered:
.L_overlay_start_2:
0x5a: {  	(tag) =	ssettag $0x2  }
0x5b: {  	s0 =	rddreg [dreg:$0x0];
	s2 =	stileid.u32  }
0x5c: {  	s1 =	rddreg [dreg:$0x1];
	p0 =	sne.s32 s2, $0x0  }
0x5d: {  	s3 =	rddreg [dreg:$0x2];
	[bflag:$0x3] =	sbarrier.arrive $0xFFFF;
	s2 =	simm.s32 @!p0 $0x1C03  }
0x5e: {  	[timem:s3], [sflag:s2] =	dma.local @!p0 [hbm:s0], s1  }
0x5f: {  	s0 =	simm.s32 @!p0 $0x3  }
0x60: {  	_ =	swait.ge @!p0 [sflag:s0], s1  }
0x61: {  	s1 =	ssub.s32 @!p0 $0x0, s1;
	[sflag:s0] =	ssyncset.done @!p0 $0x0  }
0x62: {  	[sflag:s0] =	ssyncadd.s32 @!p0 s1  }
0x63: {  	[bflag:$0x3] =	sbarrier.arrive $0xFFFF  }
0x64: {  	_ =	shalt  }

// kernel: kernel.8.cloned.1.call-start
scs
__scs_entry_jumppad:
0x0: {  	(pc) =	sbr.rel $0x88, $3  }
0x1: {  	(tag) =	ssettag $0x0;
	lr =	simm.s32 $0x1  }
0x2: {  	[smem:$0x3F8B] =	sst lr;
	_ =	strace $0xD0000000  }
0x3: {  	_ = 	snop  }
0x4: {  	_ = 	snop  }
0x5: {  	_ = 	snop  }
0x6: {  	_ = 	snop  }
0x7: {  	_ = 	snop  }
__scs_overlays_trampoline_lowered:
0x8: {  	[smem:$0x3F9A] =	sst s0  }
0x9: {  	[smem:$0x3F9B] =	sst s1  }
0xa: {  	[smem:$0x3F9C] =	sst s2  }
0xb: {  	[smem:$0x3F9D] =	sst s3  }
0xc: {  	[smem:$0x3F9E] =	sst s4  }
0xd: {  	[smem:$0x3F9F] =	sst s5  }
0xe: {  	[smem:$0x3FA0] =	sst s6  }
0xf: {  	[smem:$0x3FA1] =	sst s7  }
0x10: {  	[smem:$0x3FA2] =	sst s8  }
0x11: {  	[smem:$0x3FA3] =	sst s9;
	s0 =	simm.s32 @!p0 $0x0  }
0x12: {  	s1 =	sld [smem:$0x3F89];
	s0 =	simm.s32 @p0 $0x1  }
0x13: {  	[smem:$0x3FA4] =	sst s0;
	s0 =	simm.s32 @!p1 $0x0  }
0x14: {  	s2 =	sld [smem:$0x3F88];
	s0 =	simm.s32 @p1 $0x1  }
0x15: {  	[smem:$0x3FA5] =	sst s0;
	s0 =	simm.s32 @!p2 $0x0  }
0x16: {  	s3 =	sld [smem:$0x3FDB];
	s0 =	simm.s32 @p2 $0x1  }
0x17: {  	s4 =	simm.s32 $0x1BF5;
	[smem:$0x3FA7] =	sst s0  }
0x18: {  	s0 =	sld [smem:$0x3F8A];
	_ =	swait.ge [sflag:s4], $0x0  }
0x19: {  	s7 =	sld [smem:$0x3F8B]  }
0x1a: {  	s8 =	sadd.s32 $0xFFFFE003, lr  }
0x1b: {  	s9 =	sadd.s32 $0xFFFFFEF7, lr;
	s5 =	simm.s32 $0xFFFFFFFF;
	p2 =	slt.u32 s8, $0xFFFFF086  }
0x1c: {  	p1 =	slt.u32 s9, $0xF7A;
	s5 =	simm.s32 @!p2 $0x0  }
0x1d: {  	s5 =	simm.s32 @p1 $0x1;
	p0 =	seq.s32 s7, s2  }
0x1e: {  	s7 =	smul.u32 @!p0 $0xF7A, s2;
	p2 =	seq.s32 @!p0 s5, $0x0  }
0x1f: {  	s9 =	smul.u32 $0xF7A, s1;
	s8 =	simm.s32 @!p0 $0x1BF5;
	p2 =	por !p2, p0  }
0x20: {  	[sflag:s8] =	ssyncset.s32 @!p0 $0xFFFFF086;
	s6 =	sadd.s32 @!p0 s3, s7;
	s7 =	simm.s32 @!p0 $0x108  }
0x21: {  	s3 =	sadd.s32 s3, s9;
	s6 =	sadd.s32 @!p0 $0x88, s6;
	s7 =	simm.s32 @p2 $0x1082  }
0x22: {  	[simem:s7], [sflag:s8] =	dma.local @!p0 [hbm:s6], $0xF7A  }
0x23: {  	s9 =	sor.u32 $0xD0000000, s2;
	s6 =	simm.s32 $0x108;
	_ =	swait.ge @!p0 [sflag:s8], $0x0  }
0x24: {  	s3 =	sadd.s32 $0x88, s3;
	s6 =	simm.s32 @!p1 $0x1082;
	[sflag:s4] =	ssyncset.s32 $0xFFFFF086  }
0x25: {  	[simem:s6], [sflag:s4] =	dma.local [hbm:s3], $0xF7A  }
0x26: {  	[smem:$0x3F8B] =	sst s1;
	(tag) =	ssettag s2;
	_ =	strace s9  }
0x27: {  	s1 =	sld [smem:$0x3F9B]  }
0x28: {  	s2 =	sld [smem:$0x3F9C]  }
0x29: {  	s4 =	sld [smem:$0x3F9E]  }
0x2a: {  	p0 =	seq.s32 s5, $0x0;
	s5 =	sld [smem:$0x3F9F]  }
0x2b: {  	s6 =	sld [smem:$0x3FA0]  }
0x2c: {  	s7 =	sld [smem:$0x3FA1]  }
0x2d: {  	s3 =	simm.s32 $0x108;
	s8 =	sld [smem:$0x3FA2]  }
0x2e: {  	s3 =	simm.s32 @!p0 $0x1082;
	s9 =	sld [smem:$0x3FA3]  }
0x2f: {  	lr =	sadd.s32 s0, s3;
	s0 =	sld [smem:$0x3F9A]  }
0x30: {  	s3 =	sld [smem:$0x3F9D]  }
0x31: {  	[smem:$0x3FA6] =	sst s10  }
0x32: {  	s10 =	sld [smem:$0x3FA4];
	_ =	sdelay $0x3  }
0x33: {  	p0 =	seq.s32 s10, $0x1;
	s10 =	sld [smem:$0x3FA6];
	_ =	sdelay $0x3  }
0x34: {  	[smem:$0x3FA6] =	sst s10  }
0x35: {  	s10 =	sld [smem:$0x3FA5];
	_ =	sdelay $0x3  }
0x36: {  	p1 =	seq.s32 s10, $0x1;
	s10 =	sld [smem:$0x3FA6];
	_ =	sdelay $0x3  }
0x37: {  	[smem:$0x3FA6] =	sst s10  }
0x38: {  	s10 =	sld [smem:$0x3FA7]  }
0x39: {  	_ = 	snop;
	(pc) =	sbr.ind lr, $3  }
0x3a: {  	_ = 	snop  }
0x3b: {  	_ = 	snop  }
0x3c: {  	p2 =	seq.s32 s10, $0x1;
	s10 =	sld [smem:$0x3FA6]  }
0x3d: {  	_ =	shalt  }
0x3e: {  	_ =	shalt  }
0x3f: {  	_ =	shalt  }
0x40: {  	_ =	shalt  }
0x41: {  	_ =	shalt  }
0x42: {  	_ =	shalt  }
0x43: {  	_ =	shalt  }
0x44: {  	_ =	shalt  }
0x45: {  	_ =	shalt  }
0x46: {  	_ =	shalt  }
0x47: {  	_ =	shalt  }
0x48: {  	_ =	shalt  }
0x49: {  	_ =	shalt  }
0x4a: {  	_ =	shalt  }
0x4b: {  	_ =	shalt  }
0x4c: {  	_ =	shalt  }
0x4d: {  	_ =	shalt  }
0x4e: {  	_ =	shalt  }
0x4f: {  	_ =	shalt  }
0x50: {  	_ =	shalt  }
0x51: {  	_ =	shalt  }
0x52: {  	_ =	shalt  }
0x53: {  	_ =	shalt  }
0x54: {  	_ =	shalt  }
0x55: {  	_ =	shalt  }
0x56: {  	_ =	shalt  }
0x57: {  	_ =	shalt  }
0x58: {  	_ =	shalt  }
0x59: {  	_ =	shalt  }
0x5a: {  	_ =	shalt  }
0x5b: {  	_ =	shalt  }
0x5c: {  	_ =	shalt  }
0x5d: {  	_ =	shalt  }
0x5e: {  	_ =	shalt  }
0x5f: {  	_ =	shalt  }
0x60: {  	_ =	shalt  }
0x61: {  	_ =	shalt  }
0x62: {  	_ =	shalt  }
0x63: {  	_ =	shalt  }
0x64: {  	_ =	shalt  }
0x65: {  	_ =	shalt  }
0x66: {  	_ =	shalt  }
0x67: {  	_ =	shalt  }
0x68: {  	_ =	shalt  }
0x69: {  	_ =	shalt  }
0x6a: {  	_ =	shalt  }
0x6b: {  	_ =	shalt  }
0x6c: {  	_ =	shalt  }
0x6d: {  	_ =	shalt  }
0x6e: {  	_ =	shalt  }
0x6f: {  	_ =	shalt  }
0x70: {  	_ =	shalt  }
0x71: {  	_ =	shalt  }
0x72: {  	_ =	shalt  }
0x73: {  	_ =	shalt  }
0x74: {  	_ =	shalt  }
0x75: {  	_ =	shalt  }
0x76: {  	_ =	shalt  }
0x77: {  	_ =	shalt  }
0x78: {  	_ =	shalt  }
0x79: {  	_ =	shalt  }
0x7a: {  	_ =	shalt  }
0x7b: {  	_ =	shalt  }
0x7c: {  	_ =	shalt  }
0x7d: {  	_ =	shalt  }
0x7e: {  	_ =	shalt  }
0x7f: {  	_ =	shalt  }
0x80: {  	_ =	shalt  }
0x81: {  	_ =	shalt  }
0x82: {  	_ =	shalt  }
0x83: {  	_ =	shalt  }
0x84: {  	_ =	shalt  }
0x85: {  	_ =	shalt  }
0x86: {  	_ =	shalt  }
0x87: {  	_ =	shalt  }
.Lfunc_end0:
.L_simem_size_0:
called_computation_lowered:
.L_overlay_start_0:
0x88: {  	s2 =	sld [smem:$0x3FD9]  }
0x89: {  	s3 =	sld [smem:$0x3FFE];
	_ =	sdelay $0x1  }
0x8a: {  	s1 =	srdreg.scid  }
0x8b: {  	s0 =	sand.u32 $0x1, s1  }
0x8c: {  	s16 =	sshll.u32 s0, $0xA;
	s2 =	sadd.s32 s3, s2  }
0x8d: {  	s2 =	sadd.s32 s2, s16  }
0x8e: {  	[smem:$0x3FB2] =	sst s2  }
0x8f: {  	_ = 	snop  }
0x90: {  	(tm) =	ssettm $0x1  }
0x91: {  	s17 =	sld [smem:$0x3FFB];
	_ =	sdelay $0x3  }
0x92: {  	_ =	strace s17  }
0x93: {  	s2 =	sld [smem:$0x3FFC];
	_ =	sdelay $0x3  }
0x94: {  	_ =	strace s2  }
0x95: {  	s2 =	sld [smem:$0x3FFD];
	_ =	sdelay $0x3  }
0x96: {  	_ =	strace s2  }
0x97: {  	_ =	strace $0x8FFFFFFF  }
0x98: {  	s18 =	sld [smem:$0x3FDB];
	_ =	sdelay $0x1  }
0x99: {  	s19 =	simm.s32 $_scs_section_size  }
0x9a: {  	s4 =	simm.s32 $_size__tile_overlayer_lowered;
	s5 =	simm.s32 $_tile_overlayer_lowered  }
0x9b: {  	s22 =	simm.s32 $0x1BFF;
	s21 =	sshll.u32 s5, $0x1;
	s2 =	sadd.s32 s19, s18  }
0x9c: {  	s6 =	simm.s32 $0x0;
	s20 =	sshll.u32 s4, $0x1;
	s4 =	sadd.s32 s21, s2  }
0x9d: {  	[timem:s6], [sflag:s22] =	dma.local [hbm:s4], s20  }
0x9e: {  	_ =	swait.ge [sflag:s22], s20  }
0x9f: {  	s3 =	ssub.s32 $0x0, s20;
	[sflag:s22] =	ssyncset.done $0x0  }
0xa0: {  	[sflag:s22] =	ssyncadd.s32 s3;
	_ =	sdelay $0x1  }
0xa1: {  	s23 =	simm.s32 $0x1B8B  }
0xa2: {  	_ =	swait.ge [sflag:s23], $0x1  }
0xa3: {  	[sflag:s23] =	ssyncset.done $0x0  }
0xa4: {  	s25 =	simm.s32 $0x1B8E;
	s24 =	sld [smem:$0x3FFE];
	[sflag:s23] =	ssyncadd.s32 $0xFFFFFFFF  }
0xa5: {  	s26 =	simm.s32 $execute0_lowered;
	[smem:$0x3FD2] =	sst s25  }
0xa6: {  	s4 =	sshll.u32 s26, $0x1;
	_ =	strace $0x80000046;
	[dreg:$0x1] =	wrdreg $0xFFFFFFFF  }
0xa7: {  	s28 =	simm.s32 $_size_execute0_lowered;
	s2 =	sadd.s32 s2, s4;
	[dreg:$0x0] =	wrdreg $0x0  }
0xa8: {  	s4 =	sshll.u32 s28, $0x1;
	[dreg:$0x2] =	wrdreg s2  }
0xa9: {  	[dreg:$0x3] =	wrdreg s4  }
0xaa: {  	[dreg:$0x4] =	wrdreg $0xC0  }
0xab: {  	_ =	task [dreg:s6], $0x5FFFF  }
0xac: {  	[dreg:$0x1] =	wrdreg $0xFFFFFFFF  }
0xad: {  	[dreg:$0x0] =	wrdreg $0x60  }
0xae: {  	[dreg:$0x2] =	wrdreg s24  }
0xaf: {  	[dreg:$0x3] =	wrdreg $0x0  }
0xb0: {  	[dreg:$0x4] =	wrdreg $0x9  }
0xb1: {  	_ =	task.clear_ibuf [dreg:s6], $0x5FFFF;
	_ =	strace $0x90000046  }
0xb2: {  	s29 =	simm.s32 $0x9;
	_ =	strace $0x80000048  }
0xb3: {  	_ =	swait.ge [sflag:s29], $0x1  }
0xb4: {  	[sflag:s29] =	ssyncadd.s32 $0xFFFFFFFF  }
0xb5: {  	_ =	strace $0x90000048  }
0xb6: {  	_ =	sfence  }
0xb7: {  	s30 =	sld [smem:$0x0];
	_ =	sdelay $0x2  }
0xb8: {  	s31 =	sshll.u32 s1, $0xD;
	s1 =	sshrl.u32 s1, $0x2  }
0xb9: {  	s3 =	sand.u32 $0x4000, s31;
	s1 =	sadd.s32 s1, s30  }
0xba: {  	s0 =	sor.u32 s3, s0;
	s1 =	sshll.u32 s1, $0x11  }
0xbb: {  	s0 =	sor.u32 s1, s0  }
0xbc: {  	s0 =	sadd.s32 $0x8F2B, s0  }
0xbd: {  	[sflag:s0] =	ssyncadd.remote.s32 $0x1  }
0xbe: {  	_ =	sfence.sel $0xFFFF  }
0xbf: {  	[dreg:$0x0] =	wrdreg $0xFFFFFFFF;
	(pc) =	sbr.abs _section_cstart, $3  }
0xc0: {  	[dreg:$0x1] =	wrdreg $0xFFFFFFFF  }
0xc1: {  	_ =	task.clear_ibuf [dreg:s6], $0x2FFFF;
	_ =	strace $0x9FFFFFFF  }
0xc2: {  	(tm) =	ssettm $0x7FFFFFFF  }
0xc3: {  	_ =	shalt  }
tec
execute0_lowered:
.L_overlay_start_1:
0x0: {  	(tag) =	ssettag $0x1  }
0x1: {  	s5 =	rddreg [dreg:$0x0]  }
0x2: {  	s2 =	rddreg [dreg:$0x1]  }
0x3: {  	s0 =	stileid.u32;
	s4 =	srdreg.scid  }
0x4: {  	s1 =	rddreg [dreg:$0x2];
	s3 =	simm.s32 $0x0;
	s13 =	simm.s32 $0x187A0  }
0x5: {  	s14 =	simm.s32 $0x40;
	s15 =	simm.s32 $0x1AF20;
	s16 =	simm.s32 $0x1D320  }
0x6: {  	s17 =	simm.s32 $0x1;
	s18 =	simm.s32 $0x2;
	s19 =	simm.s32 $0x18760  }
0x7: {  	s20 =	simm.s32 $0x1AEA0;
	s21 =	simm.s32 $0x1AEE0;
	s6 =	smul.u32 $0x2780, s0  }
0x8: {  	s7 =	sand.u32 $0x1, s4;
	[smem:$0x7FF] =	sst s3;
	s30 =	smul.u32 $0x16020, s0  }
0x9: {  	s4 =	sadd.s32 $0x17800, s5;
	s31 =	sshll.u32 s0, $0x6;
	p0 =	seq.s32 s7, $0x0  }
0xa: {  	_ =	strace $0x80000047;
	s9 =	smul.u32 $0x2C040, s7;
	s7 =	ssub.s32 $0x2, s7  }
0xb: {  	s8 =	sadd.s32 $0x27800, s6;
	s22 =	sshrl.u32 s30, $0x3;
	s11 =	sshrl.u32 s7, $0x1  }
0xc: {  	s12 =	sadd.s32 s30, s2;
	s8 =	smov.u32 @p0 s6;
	s10 =	sadd.s32 s22, s5  }
0xd: {  	s9 =	sadd.s32 s9, s5;
	s11 =	ssub.s32 s7, s11;
	s6 =	sor.u32 $0x1C03, s31  }
0xe: {  	s8 =	sshrl.u32 s8, $0x3;
	s23 =	sadd.s32 $0x6FC00, s9;
	s9 =	smax.u32 s11, $0x1  }
0xf: {  	s11 =	simm.s32 $0x3;
	s8 =	sadd.s32 s8, s5;
	s5 =	sadd.s32 $0x43A00, s10  }
0x10: {  	s10 =	sshrl.u32 s12, $0x3;
	s12 =	simm.s32 $0x16020;
	s22 =	sadd.s32 s22, s23  }
0x11: {  	s23 =	simm.s32 $0x0;
	s7 =	sadd.s32 $0xDA00, s8;
	s8 =	sadd.s32 $0x3C00, s8  }
.LBB2_1:
0x12: {  	[spmem:s10], [sflag:s6] =	dma.local [hbm:s5], $0x2C04  }
0x13: {  	_ =	swait.ge [sflag:s11], $0x2C04  }
0x14: {  	[sflag:s11] =	ssyncset.done $0x0  }
0x15: {  	[sflag:s11] =	ssyncadd.s32 $0xFFFFD3FC  }
0x16: {  	[tilespmem:s12], [sflag:$0x3] =	stream.linear.gather [hbm4b:s7+s3], $0x2780, $0x38;
	[tilespmem:$0x1F720] =	vst v63  }
0x17: {  	_ =	swait.ge [sflag:s11], $0x2780  }
0x18: {  	[sflag:s11] =	ssyncset.done $0x0  }
0x19: {  	[sflag:s11] =	ssyncadd.s32 $0xFFFFD880  }
0x1a: {  	[tilespmem:s13], [sflag:$0x3] =	stream.linear.gather [hbm4b:s8+s3], $0x2780, $0x38;
	[tilespmem:$0x1F720] =	vst v63  }
0x1b: {  	_ =	swait.ge [sflag:s11], $0x2780  }
0x1c: {  	[sflag:s11] =	ssyncset.done $0x0  }
0x1d: {  	[sflag:s11] =	ssyncadd.s32 $0xFFFFD880  }
0x1e: {  	[bflag:$0x0] =	sbarrier.arrive $0xFFFF  }
0x1f: {  	[tilespmem:s15], [sflag:$0x1] =	stream.indirect.gather [hbm4b:s4+s14], $0x90, s12, s14, $0xb8;
	[tilespmem:$0x1F720] =	vst v63  }
0x20: {  	s24 =	simm.s32 $0x16060  }
0x21: {  	[tilespmem:s16], [sflag:$0x2] =	stream.indirect.gather [hbm4b:s4+s14], $0x90, s24, s14, $0xb8;
	[tilespmem:$0x1F720] =	vst v63  }
0x22: {  	_ =	swait.ge [sflag:s17], $0x2400  }
0x23: {  	[sflag:s17] =	ssyncset.done $0x0  }
0x24: {  	s29 =	simm.s32 $0x187A0;
	[sflag:s17] =	ssyncadd.s32 $0xFFFFDC00  }
0x25: {  	[spmem:s2] =	stream.indirect.scatter.add.f32 [tilespmem:s15], [sflag:$0x3], $0x90, s29, s14, $0xb8;
	[tilespmem:$0x1F720] =	vst v63  }
0x26: {  	_ =	swait.ge [sflag:s11], $0x2400  }
0x27: {  	[sflag:s11] =	ssyncset.done $0x0  }
0x28: {  	s30 =	simm.s32 $0x160A0;
	[sflag:s11] =	ssyncadd.s32 $0xFFFFDC00  }
0x29: {  	[tilespmem:s15], [sflag:$0x1] =	stream.indirect.gather [hbm4b:s4+s14], $0x90, s30, s14, $0xb8;
	[tilespmem:$0x1F720] =	vst v63  }
0x2a: {  	_ =	swait.ge [sflag:s18], $0x2400  }
0x2b: {  	[sflag:s18] =	ssyncset.done $0x0  }
0x2c: {  	s31 =	simm.s32 $0x187E0;
	[sflag:s18] =	ssyncadd.s32 $0xFFFFDC00  }
0x2d: {  	[spmem:s2] =	stream.indirect.scatter.add.f32 [tilespmem:s16], [sflag:$0x3], $0x90, s31, s14, $0xb8;
	[tilespmem:$0x1F720] =	vst v63  }
0x2e: {  	_ =	swait.ge [sflag:s11], $0x2400  }
0x2f: {  	s25 =	simm.s32 $0x400;
	s24 =	simm.s32 $0x80;
	[sflag:s11] =	ssyncset.done $0x0  }
.LBB2_2:
0x30: {  	s26 =	sadd.s32 $0x16060, s24  }
0x31: {  	[sflag:s11] =	ssyncadd.s32 $0xFFFFDC00;
	s28 =	smov.u32 s25;
	s29 =	sadd.s32 $0x200, s25  }
0x32: {  	[tilespmem:s16], [sflag:$0x2] =	stream.indirect.gather [hbm4b:s4+s14], $0x90, s26, s14, $0xb8;
	[tilespmem:$0x1F720] =	vst v63  }
0x33: {  	p0 =	sne.s32 s25, $0x9A00;
	_ =	swait.ge [sflag:s17], $0x2400  }
0x34: {  	[sflag:s17] =	ssyncset.done $0x0  }
0x35: {  	s25 =	sadd.s32 $0x187A0, s24;
	[sflag:s17] =	ssyncadd.s32 $0xFFFFDC00  }
0x36: {  	[spmem:s2] =	stream.indirect.scatter.add.f32 [tilespmem:s15], [sflag:$0x3], $0x90, s25, s14, $0xb8;
	[tilespmem:$0x1F720] =	vst v63  }
0x37: {  	_ =	swait.ge [sflag:s11], $0x2400  }
0x38: {  	[sflag:s11] =	ssyncset.done $0x0  }
0x39: {  	s25 =	sadd.s32 $0x160A0, s24;
	[sflag:s11] =	ssyncadd.s32 $0xFFFFDC00  }
0x3a: {  	[tilespmem:s15], [sflag:$0x1] =	stream.indirect.gather [hbm4b:s4+s14], $0x90, s25, s14, $0xb8;
	[tilespmem:$0x1F720] =	vst v63  }
0x3b: {  	_ =	swait.ge [sflag:s18], $0x2400  }
.Ltmp0:
0x3c: {  	[sflag:s18] =	ssyncset.done $0x0;
	(pc) =	sbr.rel @p0 .LBB2_2-.Ltmp0, $4  }
0x3d: {  	s24 =	sadd.s32 $0x187E0, s24;
	[sflag:s18] =	ssyncadd.s32 $0xFFFFDC00  }
0x3e: {  	[spmem:s2] =	stream.indirect.scatter.add.f32 [tilespmem:s16], [sflag:$0x3], $0x90, s24, s14, $0xb8;
	[tilespmem:$0x1F720] =	vst v63  }
0x3f: {  	_ =	swait.ge [sflag:s11], $0x2400  }
0x40: {  	s25 =	smov.u32 s29;
	s24 =	sshra.s32 s28, $0x2;
	[sflag:s11] =	ssyncset.done $0x0  }
0x41: {  	s25 =	sadd.s32 $0x16060, s24;
	[sflag:s11] =	ssyncadd.s32 $0xFFFFDC00  }
0x42: {  	[tilespmem:s16], [sflag:$0x2] =	stream.indirect.gather [hbm4b:s4+s14], $0x90, s25, s14, $0xb8;
	[tilespmem:$0x1F720] =	vst v63  }
0x43: {  	_ =	swait.ge [sflag:s17], $0x2400  }
0x44: {  	[sflag:s17] =	ssyncset.done $0x0  }
0x45: {  	s29 =	sadd.s32 $0x187A0, s24;
	[sflag:s17] =	ssyncadd.s32 $0xFFFFDC00  }
0x46: {  	[spmem:s2] =	stream.indirect.scatter.add.f32 [tilespmem:s15], [sflag:$0x3], $0x90, s29, s14, $0xb8;
	[tilespmem:$0x1F720] =	vst v63  }
0x47: {  	_ =	swait.ge [sflag:s11], $0x2400  }
0x48: {  	[sflag:s11] =	ssyncset.done $0x0  }
0x49: {  	s30 =	sadd.s32 $0x160A0, s24;
	[sflag:s11] =	ssyncadd.s32 $0xFFFFDC00  }
0x4a: {  	[tilespmem:s15], [sflag:$0x1] =	stream.indirect.gather [hbm4b:s4+s14], $0x90, s30, s14, $0xb8;
	[tilespmem:$0x1F720] =	vst v63  }
0x4b: {  	_ =	swait.ge [sflag:s18], $0x2400  }
0x4c: {  	[sflag:s18] =	ssyncset.done $0x0  }
0x4d: {  	s31 =	sadd.s32 $0x187E0, s24;
	[sflag:s18] =	ssyncadd.s32 $0xFFFFDC00  }
0x4e: {  	[spmem:s2] =	stream.indirect.scatter.add.f32 [tilespmem:s16], [sflag:$0x3], $0x90, s31, s14, $0xb8;
	[tilespmem:$0x1F720] =	vst v63  }
0x4f: {  	_ =	swait.ge [sflag:s11], $0x2400  }
0x50: {  	[sflag:s11] =	ssyncset.done $0x0  }
0x51: {  	[sflag:s11] =	ssyncadd.s32 $0xFFFFDC00  }
0x52: {  	[tilespmem:s16], [sflag:$0x2] =	stream.indirect.gather [hbm4b:s4+s14], $0x90, s19, s14, $0xb8;
	[tilespmem:$0x1F720] =	vst v63  }
0x53: {  	_ =	swait.ge [sflag:s17], $0x2400  }
0x54: {  	[sflag:s17] =	ssyncset.done $0x0  }
0x55: {  	[sflag:s17] =	ssyncadd.s32 $0xFFFFDC00  }
0x56: {  	[spmem:s2] =	stream.indirect.scatter.add.f32 [tilespmem:s15], [sflag:$0x3], $0x90, s20, s14, $0xb8;
	[tilespmem:$0x1F720] =	vst v63  }
0x57: {  	_ =	swait.ge [sflag:s11], $0x2400  }
0x58: {  	[sflag:s11] =	ssyncset.done $0x0  }
0x59: {  	[sflag:s11] =	ssyncadd.s32 $0xFFFFDC00  }
0x5a: {  	_ =	swait.ge [sflag:s18], $0x2400  }
0x5b: {  	[sflag:s18] =	ssyncset.done $0x0  }
0x5c: {  	[sflag:s18] =	ssyncadd.s32 $0xFFFFDC00  }
0x5d: {  	[spmem:s2] =	stream.indirect.scatter.add.f32 [tilespmem:s16], [sflag:$0x3], $0x90, s21, s14, $0xb8;
	[tilespmem:$0x1F720] =	vst v63  }
0x5e: {  	_ =	swait.ge [sflag:s11], $0x2400  }
0x5f: {  	s23 =	sadd.s32 $0x1, s23;
	[sflag:s11] =	ssyncset.done $0x0  }
0x60: {  	p0 =	sne.s32 s23, s9;
	[sflag:s11] =	ssyncadd.s32 $0xFFFFDC00  }
.Ltmp1:
0x61: {  	[bflag:$0x0] =	sbarrier.arrive $0xFFFF;
	(pc) =	sbr.rel @p0 .LBB2_1-.Ltmp1, $4  }
0x62: {  	[hbm:s22], [sflag:s6] =	dma.local [spmem:s10], $0x2C04  }
0x63: {  	_ =	swait.ge [sflag:s11], $0x2C04  }
0x64: {  	[sflag:s11] =	ssyncset.done $0x0  }
0x65: {  	[sflag:s11] =	ssyncadd.s32 $0xFFFFD3FC  }
0x66: {  	_ =	sfence.sel $0x180000  }
0x67: {  	[bflag:$0x0] =	sbarrier.arrive $0xFFFF  }
0x68: {  	p0 =	sne.s32 s0, $0x0;
	_ =	strace $0x90000047  }
0x69: {  	s0 =	sadd.s32 @!p0 $0x100000, s1;
	[bflag:$0x2] =	sbarrier.arrive $0xFFFF  }
0x6a: {  	[sflag:s0] =	ssyncadd.tile.s32 @!p0 $0x1;
	_ =	shalt  }
.Lfunc_end2:
_tile_overlayer_lowered:
.L_overlay_start_2:
0x6b: {  	(tag) =	ssettag $0x2  }
0x6c: {  	s0 =	rddreg [dreg:$0x0];
	s2 =	stileid.u32  }
0x6d: {  	s1 =	rddreg [dreg:$0x1];
	p0 =	sne.s32 s2, $0x0  }
0x6e: {  	s3 =	rddreg [dreg:$0x2];
	[bflag:$0x3] =	sbarrier.arrive $0xFFFF;
	s2 =	simm.s32 @!p0 $0x1C03  }
0x6f: {  	[timem:s3], [sflag:s2] =	dma.local @!p0 [hbm:s0], s1  }
0x70: {  	s0 =	simm.s32 @!p0 $0x3  }
0x71: {  	_ =	swait.ge @!p0 [sflag:s0], s1  }
0x72: {  	s1 =	ssub.s32 @!p0 $0x0, s1;
	[sflag:s0] =	ssyncset.done @!p0 $0x0  }
0x73: {  	[sflag:s0] =	ssyncadd.s32 @!p0 s1  }
0x74: {  	[bflag:$0x3] =	sbarrier.arrive $0xFFFF  }
0x75: {  	_ =	shalt  }

</sc_bundles>
